<compile_context>
chip_gen: v7x
topology: tpu7x:2x2x1
jax: 0.10.2.dev20260603
libtpu: 0.0.44.dev20260713+nightly
codegen_flags: <defaults>
</compile_context>

<pallas_src>
import functools

import jax
import jax.numpy as jnp
from jax import lax
from jax.experimental import pallas as pl
from jax.experimental.pallas import tpu as pltpu
from jax.experimental.pallas import tpu_sc as plsc

_B = 16384
_DIM = 64
_NREL = 32
_LAMBDA = 1e-05
_NENT = 1000000
_SLAB = 2 * _DIM

_TR = 8192
_TSTEPS = 62
_HALF = _TR * _TSTEPS
_TBLKS = -(-_NENT // _TR)


def _tr_body(t0_ref, t1_ref, out_ref):
    out_ref[:, :_DIM] = jnp.transpose(t0_ref[...])
    out_ref[:, _DIM:] = jnp.transpose(t1_ref[...])


_tr_call = pl.pallas_call(
    _tr_body,
    grid=(_TSTEPS,),
    in_specs=[
        pl.BlockSpec((_DIM, _TR), lambda s: (0, s)),
        pl.BlockSpec((_DIM, _TR),
                     lambda s: (0, jnp.minimum(_TSTEPS + s, _TBLKS - 1))),
    ],
    out_specs=pl.BlockSpec((_TR, _SLAB), lambda s: (s, 0)),
    out_shape=jax.ShapeDtypeStruct((_HALF, _SLAB), jnp.float32),
)

_NW = 32
_ROWS = 3 * _B
_BPW = _ROWS // _NW
_CHUNK = 128
_NCHUNK = _BPW // _CHUNK

_sc_mesh = plsc.VectorSubcoreMesh(core_axis_name="c", subcore_axis_name="s")


@functools.partial(
    pl.kernel,
    out_type=jax.ShapeDtypeStruct((_ROWS, _SLAB), jnp.float32),
    mesh=_sc_mesh,
    scratch_types=[
        pltpu.VMEM((_NCHUNK, _CHUNK), jnp.int32),
        pltpu.VMEM((_BPW // 2, _SLAB), jnp.float32),
        pltpu.SemaphoreType.DMA,
    ],
    compiler_params=pltpu.CompilerParams(use_tc_tiling_on_sc=False),
)
def _sc_gather(table_hbm, idx_hbm, out_hbm, idx_v, rows_v, sem):
    wid = lax.axis_index("s") * 2 + lax.axis_index("c")
    pltpu.sync_copy(idx_hbm.at[pl.ds(wid * _NCHUNK, _NCHUNK)], idx_v)
    half_nchunk = _NCHUNK // 2
    for p in range(2):
        copies = [
            pltpu.async_copy(
                table_hbm.at[idx_v.at[p * half_nchunk + j]],
                rows_v.at[pl.ds(j * _CHUNK, _CHUNK)],
                sem,
            )
            for j in range(half_nchunk)
        ]
        for c in copies:
            c.wait()
        pltpu.sync_copy(
            rows_v,
            out_hbm.at[pl.ds(wid * _BPW + p * (_BPW // 2), _BPW // 2)],
        )


_BB = 1024
_NB = _B // _BB
_KD = _NREL * _DIM


def _tc_body(h_ref, p_ref, n_ref, meta_ref, rel_ref, wt_ref, out_ref, acc):
    i = pl.program_id(0)

    @pl.when(i == 0)
    def _init():
        for j in range(5):
            acc[j] = 0.0

    meta = meta_ref[...]
    rcol = meta & 31
    rel = rel_ref[...]
    wt = wt_ref[...].astype(jnp.bfloat16)

    onehot = (rcol == lax.broadcasted_iota(jnp.int32, (_BB, _NREL), 1)
              ).astype(jnp.float32)
    r_emb = jnp.dot(onehot, rel, preferred_element_type=jnp.float32)

    gid = lax.broadcasted_iota(jnp.int32, (_BB, _KD), 1) // _DIM

    def proj(slab_ref, bit):
        s = slab_ref[...]
        x = jnp.where((meta & bit) == 0, s[:, :_DIM], s[:, _DIM:])
        p = jnp.dot(x.astype(jnp.bfloat16), wt, preferred_element_type=jnp.float32)
        a = jnp.where(rcol == gid, p, 0.0)
        w = _KD // 2
        while w >= _DIM:
            a = a[:, :w] + a[:, w:]
            w //= 2
        return a

    ph = proj(h_ref, 32)
    pp = proj(p_ref, 64)
    pn = proj(n_ref, 128)

    anchor = ph + r_emb
    dpos = anchor - pp
    dneg = anchor - pn
    pos_s = jnp.sum(dpos * dpos, axis=1, keepdims=True)
    neg_s = jnp.sum(dneg * dneg, axis=1, keepdims=True)
    y = neg_s - pos_s
    term = jnp.maximum(-y, 0.0) + jnp.log(1.0 + jnp.exp(-jnp.abs(y)))

    acc[0] += jnp.sum(term)
    acc[1] += jnp.sum(ph * ph)
    acc[2] += jnp.sum(r_emb * r_emb)
    acc[3] += jnp.sum(pp * pp)
    acc[4] += jnp.sum(pn * pn)

    @pl.when(i == _NB - 1)
    def _emit():
        kg = acc[0] / _B
        l2 = (acc[1] + acc[2] + acc[3] + acc[4]) / (2.0 * _B)
        out_ref[0, 0] = kg + _LAMBDA * l2


_tc_call = pl.pallas_call(
    _tc_body,
    grid=(_NB,),
    in_specs=[
        pl.BlockSpec((_BB, _SLAB), lambda i: (i, 0)),
        pl.BlockSpec((_BB, _SLAB), lambda i: (_NB + i, 0)),
        pl.BlockSpec((_BB, _SLAB), lambda i: (2 * _NB + i, 0)),
        pl.BlockSpec((_BB, 1), lambda i: (i, 0)),
        pl.BlockSpec((_NREL, _DIM), lambda i: (0, 0)),
        pl.BlockSpec((_DIM, _KD), lambda i: (0, 0)),
    ],
    out_specs=pl.BlockSpec((1, 1), lambda i: (0, 0), memory_space=pltpu.SMEM),
    out_shape=jax.ShapeDtypeStruct((1, 1), jnp.float32),
    scratch_shapes=[pltpu.SMEM((8,), jnp.float32)],
)


def kernel(entity_emb, relation_emb, transfer_matrix, h, r, pos_t, neg_t):
    idx = jnp.concatenate([h, pos_t, neg_t]).astype(jnp.int32)
    slab_idx2 = jnp.reshape(idx % _HALF, (_ROWS // _CHUNK, _CHUNK))
    meta = (r.astype(jnp.int32)
            + 32 * (h.astype(jnp.int32) // _HALF)
            + 64 * (pos_t.astype(jnp.int32) // _HALF)
            + 128 * (neg_t.astype(jnp.int32) // _HALF)).reshape(_B, 1)
    t_view = entity_emb.T
    table2 = _tr_call(t_view, t_view)
    gathered = _sc_gather(table2, slab_idx2)
    wt = jnp.transpose(transfer_matrix, (1, 0, 2)).reshape(_DIM, _KD)
    loss = _tc_call(gathered, gathered, gathered, meta, relation_emb, wt)
    return loss[0, 0]

# --- scband reference (transcript-rebuilt; emitter-appended) ---
"""Pipeline reference for scband-ckan-46866683133999 (READ-ONLY COPY).

The authoritative reference and input builder live on the scoring server;
editing this copy changes nothing except your own understanding.
"""

import jax, jax.numpy as jnp
import numpy as np

N_ENTITY = 1000000
N_RELATION = 32
DIM = 64
B = 16384
KG_L2_LAMBDA = 1e-05


def _xavier(key, shape):
    fan_in, fan_out = shape[-1], shape[-2]
    a = float(np.sqrt(6.0 / (fan_in + fan_out)))
    return jax.random.uniform(key, shape, minval=-a, maxval=a, dtype=jnp.float32)


def setup_inputs(seed: int = 0) -> dict:
    key = jax.random.key(seed)
    ks = jax.random.split(key, 8)
    h = jax.random.randint(ks[0], (B,), 0, N_ENTITY)
    r = jax.random.randint(ks[1], (B,), 0, N_RELATION)
    pos_t = jax.random.randint(ks[2], (B,), 0, N_ENTITY)
    neg_t = jax.random.randint(ks[3], (B,), 0, N_ENTITY)
    entity_emb = _xavier(ks[4], (N_ENTITY, DIM))
    relation_emb = _xavier(ks[5], (N_RELATION, DIM))
    transfer_matrix = _xavier(ks[6], (N_RELATION, DIM, DIM))
    return {
        'entity_emb': entity_emb,
        'relation_emb': relation_emb,
        'transfer_matrix': transfer_matrix,
        'h': h,
        'r': r,
        'pos_t': pos_t,
        'neg_t': neg_t,
    }


def _l2_loss_mean(x):
    return jnp.mean(jnp.sum(jnp.power(x, 2), axis=1) / 2.0)


def reference(entity_emb, relation_emb, transfer_matrix, h, r, pos_t, neg_t):
    # CKAN.forward(..., mode='train_kg') -> calc_kg_loss(h, r, pos_t, neg_t)
    r_embed = jnp.take(relation_emb, r, axis=0)            # [B, dim]
    W_r = jnp.take(transfer_matrix, r, axis=0)             # [B, dim, dim]
    h_embed = jnp.take(entity_emb, h, axis=0)              # [B, dim]
    pos_t_embed = jnp.take(entity_emb, pos_t, axis=0)      # [B, dim]
    neg_t_embed = jnp.take(entity_emb, neg_t, axis=0)      # [B, dim]
    # bmm(x.unsqueeze(1), W_r).squeeze(1)
    r_mul_h = jnp.einsum('bd,bde->be', h_embed, W_r)
    r_mul_pos_t = jnp.einsum('bd,bde->be', pos_t_embed, W_r)
    r_mul_neg_t = jnp.einsum('bd,bde->be', neg_t_embed, W_r)
    pos_score = jnp.sum(jnp.power(r_mul_h + r_embed - r_mul_pos_t, 2), axis=1)
    neg_score = jnp.sum(jnp.power(r_mul_h + r_embed - r_mul_neg_t, 2), axis=1)
    kg_loss = jnp.mean(-1.0 * jax.nn.log_sigmoid(neg_score - pos_score))
    l2_loss = (_l2_loss_mean(r_mul_h) + _l2_loss_mean(r_embed)
               + _l2_loss_mean(r_mul_pos_t) + _l2_loss_mean(r_mul_neg_t))
    loss = kg_loss + KG_L2_LAMBDA * l2_loss
    return loss

if __name__ == "__main__":
    import jax
    _d = setup_inputs()
    print(jax.jit(kernel)(*tuple(_d.values())))

</pallas_src>

<mosaic_0001>
#map = affine_map<(d0, d1) -> (0, 0)>
module attributes {stable_mosaic.version = 14 : i64} {
  func.func @_sc_gather(%arg0: i32, %arg1: i32, %arg2: memref<507904x128xf32, #tpu.memory_space<hbm>>, %arg3: memref<384x128xi32, #tpu.memory_space<hbm>>, %arg4: memref<49152x128xf32, #tpu.memory_space<hbm>>, %arg5: memref<12x128xi32, #tpu.memory_space<vmem>>, %arg6: memref<768x128xf32, #tpu.memory_space<vmem>>, %arg7: memref<!tpu.dma_semaphore, #tpu.memory_space<semaphore_mem>>) attributes {dimension_semantics = [#tpu.dimension_semantics<core_parallel>, #tpu.dimension_semantics<subcore_parallel>], iteration_bounds = array<i64: 2, 16>, scalar_prefetch = 0 : i64, scratch_operands = 3 : i64, tpu.core_type = #tpu.core_type<sc_vector_subcore>, window_params = [{transform_indices = #map}, {transform_indices = #map}, {transform_indices = #map}]} {
    %mul3A = arith.constant 2 : i32
    %mul3A_0 = arith.muli %arg1, %mul3A : i32
    %add3A = arith.addi %mul3A_0, %arg0 : i32
    %mul3A_1 = arith.constant 12 : i32
    %mul3A_2 = arith.muli %add3A, %mul3A_1 : i32
    "tpu.region"() ({
      %run_scoped3A = tpu.sem_alloc : memref<!tpu.dma_semaphore, #tpu.memory_space<semaphore_mem>>
      %dma_start3A_249 = arith.constant 0 : i32
      %dma_start3A_250 = tpu.memref_slice %arg3[%mul3A_2, %dma_start3A_249] : memref<384x128xi32, #tpu.memory_space<hbm>> -> memref<12x128xi32, #tpu.memory_space<hbm>>
      %dma_start3A_251 = arith.constant 0 : i32
      %dma_start3A_252 = tpu.memref_slice %arg3[%mul3A_2, %dma_start3A_251] : memref<384x128xi32, #tpu.memory_space<hbm>> -> memref<12x128xi32, #tpu.memory_space<hbm>>
      tpu.enqueue_dma source(%dma_start3A_252 : memref<12x128xi32, #tpu.memory_space<hbm>>) target(%arg5 : memref<12x128xi32, #tpu.memory_space<vmem>>) target_semaphore(%run_scoped3A : memref<!tpu.dma_semaphore, #tpu.memory_space<semaphore_mem>>)
      %dma_wait3A_253 = arith.constant 0 : i32
      %dma_wait3A_254 = tpu.memref_slice %arg3[%mul3A_2, %dma_wait3A_253] : memref<384x128xi32, #tpu.memory_space<hbm>> -> memref<12x128xi32, #tpu.memory_space<hbm>>
      %dma_wait3A_255 = arith.constant 0 : i32
      %dma_wait3A_256 = tpu.memref_slice %arg3[%mul3A_2, %dma_wait3A_255] : memref<384x128xi32, #tpu.memory_space<hbm>> -> memref<12x128xi32, #tpu.memory_space<hbm>>
      tpu.wait_dma2 semaphore(%run_scoped3A : memref<!tpu.dma_semaphore, #tpu.memory_space<semaphore_mem>>) src(%dma_wait3A_256 : memref<12x128xi32, #tpu.memory_space<hbm>>) dst(%arg5 : memref<12x128xi32, #tpu.memory_space<vmem>>)
      tpu.yield
    }) : () -> ()
    %dma_start3A = arith.constant 0 : i32
    %dma_start3A_3 = arith.constant 0 : i32
    %dma_start3A_4 = arith.constant 0 : i32
    %dma_start3A_5 = tpu.memref_slice %arg6[%dma_start3A_3, %dma_start3A_4] : memref<768x128xf32, #tpu.memory_space<vmem>> -> memref<128x128xf32, #tpu.memory_space<vmem>>
    %dma_start3A_6 = arith.constant 0 : i32
    %dma_start3A_7 = tpu.memref_slice %arg5[%dma_start3A, %dma_start3A_6] : memref<12x128xi32, #tpu.memory_space<vmem>> -> memref<1x128xi32, #tpu.memory_space<vmem>>
    %dma_start3A_8 = tpu.memref_squeeze %dma_start3A_7 : memref<1x128xi32, #tpu.memory_space<vmem>> -> memref<128xi32, #tpu.memory_space<vmem>>
    %dma_start3A_9 = arith.constant 0 : i32
    %dma_start3A_10 = arith.constant 0 : i32
    %dma_start3A_11 = tpu.memref_slice %arg2[%dma_start3A_9, %dma_start3A_10] : memref<507904x128xf32, #tpu.memory_space<hbm>> -> memref<507904x128xf32, #tpu.memory_space<hbm>>
    tpu.enqueue_indirect_dma source(%dma_start3A_11 : memref<507904x128xf32, #tpu.memory_space<hbm>>) target(%dma_start3A_5 : memref<128x128xf32, #tpu.memory_space<vmem>>) offsets(%dma_start3A_8 : memref<128xi32, #tpu.memory_space<vmem>>) semaphore(%arg7 : memref<!tpu.dma_semaphore, #tpu.memory_space<semaphore_mem>>)
    %dma_start3A_12 = arith.constant 1 : i32
    %dma_start3A_13 = arith.constant 128 : i32
    %dma_start3A_14 = arith.constant 0 : i32
    %dma_start3A_15 = tpu.memref_slice %arg6[%dma_start3A_13, %dma_start3A_14] : memref<768x128xf32, #tpu.memory_space<vmem>> -> memref<128x128xf32, #tpu.memory_space<vmem>>
    %dma_start3A_16 = arith.constant 0 : i32
    %dma_start3A_17 = tpu.memref_slice %arg5[%dma_start3A_12, %dma_start3A_16] : memref<12x128xi32, #tpu.memory_space<vmem>> -> memref<1x128xi32, #tpu.memory_space<vmem>>
    %dma_start3A_18 = tpu.memref_squeeze %dma_start3A_17 : memref<1x128xi32, #tpu.memory_space<vmem>> -> memref<128xi32, #tpu.memory_space<vmem>>
    %dma_start3A_19 = arith.constant 0 : i32
    %dma_start3A_20 = arith.constant 0 : i32
    %dma_start3A_21 = tpu.memref_slice %arg2[%dma_start3A_19, %dma_start3A_20] : memref<507904x128xf32, #tpu.memory_space<hbm>> -> memref<507904x128xf32, #tpu.memory_space<hbm>>
    tpu.enqueue_indirect_dma source(%dma_start3A_21 : memref<507904x128xf32, #tpu.memory_space<hbm>>) target(%dma_start3A_15 : memref<128x128xf32, #tpu.memory_space<vmem>>) offsets(%dma_start3A_18 : memref<128xi32, #tpu.memory_space<vmem>>) semaphore(%arg7 : memref<!tpu.dma_semaphore, #tpu.memory_space<semaphore_mem>>)
    %dma_start3A_22 = arith.constant 2 : i32
    %dma_start3A_23 = arith.constant 256 : i32
    %dma_start3A_24 = arith.constant 0 : i32
    %dma_start3A_25 = tpu.memref_slice %arg6[%dma_start3A_23, %dma_start3A_24] : memref<768x128xf32, #tpu.memory_space<vmem>> -> memref<128x128xf32, #tpu.memory_space<vmem>>
    %dma_start3A_26 = arith.constant 0 : i32
    %dma_start3A_27 = tpu.memref_slice %arg5[%dma_start3A_22, %dma_start3A_26] : memref<12x128xi32, #tpu.memory_space<vmem>> -> memref<1x128xi32, #tpu.memory_space<vmem>>
    %dma_start3A_28 = tpu.memref_squeeze %dma_start3A_27 : memref<1x128xi32, #tpu.memory_space<vmem>> -> memref<128xi32, #tpu.memory_space<vmem>>
    %dma_start3A_29 = arith.constant 0 : i32
    %dma_start3A_30 = arith.constant 0 : i32
    %dma_start3A_31 = tpu.memref_slice %arg2[%dma_start3A_29, %dma_start3A_30] : memref<507904x128xf32, #tpu.memory_space<hbm>> -> memref<507904x128xf32, #tpu.memory_space<hbm>>
    tpu.enqueue_indirect_dma source(%dma_start3A_31 : memref<507904x128xf32, #tpu.memory_space<hbm>>) target(%dma_start3A_25 : memref<128x128xf32, #tpu.memory_space<vmem>>) offsets(%dma_start3A_28 : memref<128xi32, #tpu.memory_space<vmem>>) semaphore(%arg7 : memref<!tpu.dma_semaphore, #tpu.memory_space<semaphore_mem>>)
    %dma_start3A_32 = arith.constant 3 : i32
    %dma_start3A_33 = arith.constant 384 : i32
    %dma_start3A_34 = arith.constant 0 : i32
    %dma_start3A_35 = tpu.memref_slice %arg6[%dma_start3A_33, %dma_start3A_34] : memref<768x128xf32, #tpu.memory_space<vmem>> -> memref<128x128xf32, #tpu.memory_space<vmem>>
    %dma_start3A_36 = arith.constant 0 : i32
    %dma_start3A_37 = tpu.memref_slice %arg5[%dma_start3A_32, %dma_start3A_36] : memref<12x128xi32, #tpu.memory_space<vmem>> -> memref<1x128xi32, #tpu.memory_space<vmem>>
    %dma_start3A_38 = tpu.memref_squeeze %dma_start3A_37 : memref<1x128xi32, #tpu.memory_space<vmem>> -> memref<128xi32, #tpu.memory_space<vmem>>
    %dma_start3A_39 = arith.constant 0 : i32
    %dma_start3A_40 = arith.constant 0 : i32
    %dma_start3A_41 = tpu.memref_slice %arg2[%dma_start3A_39, %dma_start3A_40] : memref<507904x128xf32, #tpu.memory_space<hbm>> -> memref<507904x128xf32, #tpu.memory_space<hbm>>
    tpu.enqueue_indirect_dma source(%dma_start3A_41 : memref<507904x128xf32, #tpu.memory_space<hbm>>) target(%dma_start3A_35 : memref<128x128xf32, #tpu.memory_space<vmem>>) offsets(%dma_start3A_38 : memref<128xi32, #tpu.memory_space<vmem>>) semaphore(%arg7 : memref<!tpu.dma_semaphore, #tpu.memory_space<semaphore_mem>>)
    %dma_start3A_42 = arith.constant 4 : i32
    %dma_start3A_43 = arith.constant 512 : i32
    %dma_start3A_44 = arith.constant 0 : i32
    %dma_start3A_45 = tpu.memref_slice %arg6[%dma_start3A_43, %dma_start3A_44] : memref<768x128xf32, #tpu.memory_space<vmem>> -> memref<128x128xf32, #tpu.memory_space<vmem>>
    %dma_start3A_46 = arith.constant 0 : i32
    %dma_start3A_47 = tpu.memref_slice %arg5[%dma_start3A_42, %dma_start3A_46] : memref<12x128xi32, #tpu.memory_space<vmem>> -> memref<1x128xi32, #tpu.memory_space<vmem>>
    %dma_start3A_48 = tpu.memref_squeeze %dma_start3A_47 : memref<1x128xi32, #tpu.memory_space<vmem>> -> memref<128xi32, #tpu.memory_space<vmem>>
    %dma_start3A_49 = arith.constant 0 : i32
    %dma_start3A_50 = arith.constant 0 : i32
    %dma_start3A_51 = tpu.memref_slice %arg2[%dma_start3A_49, %dma_start3A_50] : memref<507904x128xf32, #tpu.memory_space<hbm>> -> memref<507904x128xf32, #tpu.memory_space<hbm>>
    tpu.enqueue_indirect_dma source(%dma_start3A_51 : memref<507904x128xf32, #tpu.memory_space<hbm>>) target(%dma_start3A_45 : memref<128x128xf32, #tpu.memory_space<vmem>>) offsets(%dma_start3A_48 : memref<128xi32, #tpu.memory_space<vmem>>) semaphore(%arg7 : memref<!tpu.dma_semaphore, #tpu.memory_space<semaphore_mem>>)
    %dma_start3A_52 = arith.constant 5 : i32
    %dma_start3A_53 = arith.constant 640 : i32
    %dma_start3A_54 = arith.constant 0 : i32
    %dma_start3A_55 = tpu.memref_slice %arg6[%dma_start3A_53, %dma_start3A_54] : memref<768x128xf32, #tpu.memory_space<vmem>> -> memref<128x128xf32, #tpu.memory_space<vmem>>
    %dma_start3A_56 = arith.constant 0 : i32
    %dma_start3A_57 = tpu.memref_slice %arg5[%dma_start3A_52, %dma_start3A_56] : memref<12x128xi32, #tpu.memory_space<vmem>> -> memref<1x128xi32, #tpu.memory_space<vmem>>
    %dma_start3A_58 = tpu.memref_squeeze %dma_start3A_57 : memref<1x128xi32, #tpu.memory_space<vmem>> -> memref<128xi32, #tpu.memory_space<vmem>>
    %dma_start3A_59 = arith.constant 0 : i32
    %dma_start3A_60 = arith.constant 0 : i32
    %dma_start3A_61 = tpu.memref_slice %arg2[%dma_start3A_59, %dma_start3A_60] : memref<507904x128xf32, #tpu.memory_space<hbm>> -> memref<507904x128xf32, #tpu.memory_space<hbm>>
    tpu.enqueue_indirect_dma source(%dma_start3A_61 : memref<507904x128xf32, #tpu.memory_space<hbm>>) target(%dma_start3A_55 : memref<128x128xf32, #tpu.memory_space<vmem>>) offsets(%dma_start3A_58 : memref<128xi32, #tpu.memory_space<vmem>>) semaphore(%arg7 : memref<!tpu.dma_semaphore, #tpu.memory_space<semaphore_mem>>)
    %dma_wait3A = arith.constant 0 : i32
    %dma_wait3A_62 = arith.constant 0 : i32
    %dma_wait3A_63 = arith.constant 0 : i32
    %dma_wait3A_64 = tpu.memref_slice %arg6[%dma_wait3A_62, %dma_wait3A_63] : memref<768x128xf32, #tpu.memory_space<vmem>> -> memref<128x128xf32, #tpu.memory_space<vmem>>
    %dma_wait3A_65 = arith.constant 0 : i32
    %dma_wait3A_66 = tpu.memref_slice %arg5[%dma_wait3A, %dma_wait3A_65] : memref<12x128xi32, #tpu.memory_space<vmem>> -> memref<1x128xi32, #tpu.memory_space<vmem>>
    %dma_wait3A_67 = tpu.memref_squeeze %dma_wait3A_66 : memref<1x128xi32, #tpu.memory_space<vmem>> -> memref<128xi32, #tpu.memory_space<vmem>>
    %dma_wait3A_68 = arith.constant 0 : i32
    %dma_wait3A_69 = arith.constant 0 : i32
    %dma_wait3A_70 = tpu.memref_slice %arg2[%dma_wait3A_68, %dma_wait3A_69] : memref<507904x128xf32, #tpu.memory_space<hbm>> -> memref<507904x128xf32, #tpu.memory_space<hbm>>
    tpu.wait_indirect_dma semaphore(%arg7 : memref<!tpu.dma_semaphore, #tpu.memory_space<semaphore_mem>>) src(%dma_wait3A_70 : memref<507904x128xf32, #tpu.memory_space<hbm>>) dst(%dma_wait3A_64 : memref<128x128xf32, #tpu.memory_space<vmem>>)
    %dma_wait3A_71 = arith.constant 1 : i32
    %dma_wait3A_72 = arith.constant 128 : i32
    %dma_wait3A_73 = arith.constant 0 : i32
    %dma_wait3A_74 = tpu.memref_slice %arg6[%dma_wait3A_72, %dma_wait3A_73] : memref<768x128xf32, #tpu.memory_space<vmem>> -> memref<128x128xf32, #tpu.memory_space<vmem>>
    %dma_wait3A_75 = arith.constant 0 : i32
    %dma_wait3A_76 = tpu.memref_slice %arg5[%dma_wait3A_71, %dma_wait3A_75] : memref<12x128xi32, #tpu.memory_space<vmem>> -> memref<1x128xi32, #tpu.memory_space<vmem>>
    %dma_wait3A_77 = tpu.memref_squeeze %dma_wait3A_76 : memref<1x128xi32, #tpu.memory_space<vmem>> -> memref<128xi32, #tpu.memory_space<vmem>>
    %dma_wait3A_78 = arith.constant 0 : i32
    %dma_wait3A_79 = arith.constant 0 : i32
    %dma_wait3A_80 = tpu.memref_slice %arg2[%dma_wait3A_78, %dma_wait3A_79] : memref<507904x128xf32, #tpu.memory_space<hbm>> -> memref<507904x128xf32, #tpu.memory_space<hbm>>
    tpu.wait_indirect_dma semaphore(%arg7 : memref<!tpu.dma_semaphore, #tpu.memory_space<semaphore_mem>>) src(%dma_wait3A_80 : memref<507904x128xf32, #tpu.memory_space<hbm>>) dst(%dma_wait3A_74 : memref<128x128xf32, #tpu.memory_space<vmem>>)
    %dma_wait3A_81 = arith.constant 2 : i32
    %dma_wait3A_82 = arith.constant 256 : i32
    %dma_wait3A_83 = arith.constant 0 : i32
    %dma_wait3A_84 = tpu.memref_slice %arg6[%dma_wait3A_82, %dma_wait3A_83] : memref<768x128xf32, #tpu.memory_space<vmem>> -> memref<128x128xf32, #tpu.memory_space<vmem>>
    %dma_wait3A_85 = arith.constant 0 : i32
    %dma_wait3A_86 = tpu.memref_slice %arg5[%dma_wait3A_81, %dma_wait3A_85] : memref<12x128xi32, #tpu.memory_space<vmem>> -> memref<1x128xi32, #tpu.memory_space<vmem>>
    %dma_wait3A_87 = tpu.memref_squeeze %dma_wait3A_86 : memref<1x128xi32, #tpu.memory_space<vmem>> -> memref<128xi32, #tpu.memory_space<vmem>>
    %dma_wait3A_88 = arith.constant 0 : i32
    %dma_wait3A_89 = arith.constant 0 : i32
    %dma_wait3A_90 = tpu.memref_slice %arg2[%dma_wait3A_88, %dma_wait3A_89] : memref<507904x128xf32, #tpu.memory_space<hbm>> -> memref<507904x128xf32, #tpu.memory_space<hbm>>
    tpu.wait_indirect_dma semaphore(%arg7 : memref<!tpu.dma_semaphore, #tpu.memory_space<semaphore_mem>>) src(%dma_wait3A_90 : memref<507904x128xf32, #tpu.memory_space<hbm>>) dst(%dma_wait3A_84 : memref<128x128xf32, #tpu.memory_space<vmem>>)
    %dma_wait3A_91 = arith.constant 3 : i32
    %dma_wait3A_92 = arith.constant 384 : i32
    %dma_wait3A_93 = arith.constant 0 : i32
    %dma_wait3A_94 = tpu.memref_slice %arg6[%dma_wait3A_92, %dma_wait3A_93] : memref<768x128xf32, #tpu.memory_space<vmem>> -> memref<128x128xf32, #tpu.memory_space<vmem>>
    %dma_wait3A_95 = arith.constant 0 : i32
    %dma_wait3A_96 = tpu.memref_slice %arg5[%dma_wait3A_91, %dma_wait3A_95] : memref<12x128xi32, #tpu.memory_space<vmem>> -> memref<1x128xi32, #tpu.memory_space<vmem>>
    %dma_wait3A_97 = tpu.memref_squeeze %dma_wait3A_96 : memref<1x128xi32, #tpu.memory_space<vmem>> -> memref<128xi32, #tpu.memory_space<vmem>>
    %dma_wait3A_98 = arith.constant 0 : i32
    %dma_wait3A_99 = arith.constant 0 : i32
    %dma_wait3A_100 = tpu.memref_slice %arg2[%dma_wait3A_98, %dma_wait3A_99] : memref<507904x128xf32, #tpu.memory_space<hbm>> -> memref<507904x128xf32, #tpu.memory_space<hbm>>
    tpu.wait_indirect_dma semaphore(%arg7 : memref<!tpu.dma_semaphore, #tpu.memory_space<semaphore_mem>>) src(%dma_wait3A_100 : memref<507904x128xf32, #tpu.memory_space<hbm>>) dst(%dma_wait3A_94 : memref<128x128xf32, #tpu.memory_space<vmem>>)
    %dma_wait3A_101 = arith.constant 4 : i32
    %dma_wait3A_102 = arith.constant 512 : i32
    %dma_wait3A_103 = arith.constant 0 : i32
    %dma_wait3A_104 = tpu.memref_slice %arg6[%dma_wait3A_102, %dma_wait3A_103] : memref<768x128xf32, #tpu.memory_space<vmem>> -> memref<128x128xf32, #tpu.memory_space<vmem>>
    %dma_wait3A_105 = arith.constant 0 : i32
    %dma_wait3A_106 = tpu.memref_slice %arg5[%dma_wait3A_101, %dma_wait3A_105] : memref<12x128xi32, #tpu.memory_space<vmem>> -> memref<1x128xi32, #tpu.memory_space<vmem>>
    %dma_wait3A_107 = tpu.memref_squeeze %dma_wait3A_106 : memref<1x128xi32, #tpu.memory_space<vmem>> -> memref<128xi32, #tpu.memory_space<vmem>>
    %dma_wait3A_108 = arith.constant 0 : i32
    %dma_wait3A_109 = arith.constant 0 : i32
    %dma_wait3A_110 = tpu.memref_slice %arg2[%dma_wait3A_108, %dma_wait3A_109] : memref<507904x128xf32, #tpu.memory_space<hbm>> -> memref<507904x128xf32, #tpu.memory_space<hbm>>
    tpu.wait_indirect_dma semaphore(%arg7 : memref<!tpu.dma_semaphore, #tpu.memory_space<semaphore_mem>>) src(%dma_wait3A_110 : memref<507904x128xf32, #tpu.memory_space<hbm>>) dst(%dma_wait3A_104 : memref<128x128xf32, #tpu.memory_space<vmem>>)
    %dma_wait3A_111 = arith.constant 5 : i32
    %dma_wait3A_112 = arith.constant 640 : i32
    %dma_wait3A_113 = arith.constant 0 : i32
    %dma_wait3A_114 = tpu.memref_slice %arg6[%dma_wait3A_112, %dma_wait3A_113] : memref<768x128xf32, #tpu.memory_space<vmem>> -> memref<128x128xf32, #tpu.memory_space<vmem>>
    %dma_wait3A_115 = arith.constant 0 : i32
    %dma_wait3A_116 = tpu.memref_slice %arg5[%dma_wait3A_111, %dma_wait3A_115] : memref<12x128xi32, #tpu.memory_space<vmem>> -> memref<1x128xi32, #tpu.memory_space<vmem>>
    %dma_wait3A_117 = tpu.memref_squeeze %dma_wait3A_116 : memref<1x128xi32, #tpu.memory_space<vmem>> -> memref<128xi32, #tpu.memory_space<vmem>>
    %dma_wait3A_118 = arith.constant 0 : i32
    %dma_wait3A_119 = arith.constant 0 : i32
    %dma_wait3A_120 = tpu.memref_slice %arg2[%dma_wait3A_118, %dma_wait3A_119] : memref<507904x128xf32, #tpu.memory_space<hbm>> -> memref<507904x128xf32, #tpu.memory_space<hbm>>
    tpu.wait_indirect_dma semaphore(%arg7 : memref<!tpu.dma_semaphore, #tpu.memory_space<semaphore_mem>>) src(%dma_wait3A_120 : memref<507904x128xf32, #tpu.memory_space<hbm>>) dst(%dma_wait3A_114 : memref<128x128xf32, #tpu.memory_space<vmem>>)
    %mul3A_121 = arith.constant 1536 : i32
    %mul3A_122 = arith.muli %add3A, %mul3A_121 : i32
    %add3A_123 = arith.constant 0 : i32
    %add3A_124 = arith.addi %mul3A_122, %add3A_123 : i32
    "tpu.region"() ({
      %run_scoped3A = tpu.sem_alloc : memref<!tpu.dma_semaphore, #tpu.memory_space<semaphore_mem>>
      %dma_start3A_249 = arith.constant 0 : i32
      %dma_start3A_250 = tpu.memref_slice %arg4[%add3A_124, %dma_start3A_249] : memref<49152x128xf32, #tpu.memory_space<hbm>> -> memref<768x128xf32, #tpu.memory_space<hbm>>
      %dma_start3A_251 = arith.constant 0 : i32
      %dma_start3A_252 = tpu.memref_slice %arg4[%add3A_124, %dma_start3A_251] : memref<49152x128xf32, #tpu.memory_space<hbm>> -> memref<768x128xf32, #tpu.memory_space<hbm>>
      tpu.enqueue_dma source(%arg6 : memref<768x128xf32, #tpu.memory_space<vmem>>) target(%dma_start3A_252 : memref<768x128xf32, #tpu.memory_space<hbm>>) target_semaphore(%run_scoped3A : memref<!tpu.dma_semaphore, #tpu.memory_space<semaphore_mem>>)
      %dma_wait3A_253 = arith.constant 0 : i32
      %dma_wait3A_254 = tpu.memref_slice %arg4[%add3A_124, %dma_wait3A_253] : memref<49152x128xf32, #tpu.memory_space<hbm>> -> memref<768x128xf32, #tpu.memory_space<hbm>>
      %dma_wait3A_255 = arith.constant 0 : i32
      %dma_wait3A_256 = tpu.memref_slice %arg4[%add3A_124, %dma_wait3A_255] : memref<49152x128xf32, #tpu.memory_space<hbm>> -> memref<768x128xf32, #tpu.memory_space<hbm>>
      tpu.wait_dma2 semaphore(%run_scoped3A : memref<!tpu.dma_semaphore, #tpu.memory_space<semaphore_mem>>) src(%arg6 : memref<768x128xf32, #tpu.memory_space<vmem>>) dst(%dma_wait3A_256 : memref<768x128xf32, #tpu.memory_space<hbm>>)
      tpu.yield
    }) : () -> ()
    %dma_start3A_125 = arith.constant 6 : i32
    %dma_start3A_126 = arith.constant 0 : i32
    %dma_start3A_127 = arith.constant 0 : i32
    %dma_start3A_128 = tpu.memref_slice %arg6[%dma_start3A_126, %dma_start3A_127] : memref<768x128xf32, #tpu.memory_space<vmem>> -> memref<128x128xf32, #tpu.memory_space<vmem>>
    %dma_start3A_129 = arith.constant 0 : i32
    %dma_start3A_130 = tpu.memref_slice %arg5[%dma_start3A_125, %dma_start3A_129] : memref<12x128xi32, #tpu.memory_space<vmem>> -> memref<1x128xi32, #tpu.memory_space<vmem>>
    %dma_start3A_131 = tpu.memref_squeeze %dma_start3A_130 : memref<1x128xi32, #tpu.memory_space<vmem>> -> memref<128xi32, #tpu.memory_space<vmem>>
    %dma_start3A_132 = arith.constant 0 : i32
    %dma_start3A_133 = arith.constant 0 : i32
    %dma_start3A_134 = tpu.memref_slice %arg2[%dma_start3A_132, %dma_start3A_133] : memref<507904x128xf32, #tpu.memory_space<hbm>> -> memref<507904x128xf32, #tpu.memory_space<hbm>>
    tpu.enqueue_indirect_dma source(%dma_start3A_134 : memref<507904x128xf32, #tpu.memory_space<hbm>>) target(%dma_start3A_128 : memref<128x128xf32, #tpu.memory_space<vmem>>) offsets(%dma_start3A_131 : memref<128xi32, #tpu.memory_space<vmem>>) semaphore(%arg7 : memref<!tpu.dma_semaphore, #tpu.memory_space<semaphore_mem>>)
    %dma_start3A_135 = arith.constant 7 : i32
    %dma_start3A_136 = arith.constant 128 : i32
    %dma_start3A_137 = arith.constant 0 : i32
    %dma_start3A_138 = tpu.memref_slice %arg6[%dma_start3A_136, %dma_start3A_137] : memref<768x128xf32, #tpu.memory_space<vmem>> -> memref<128x128xf32, #tpu.memory_space<vmem>>
    %dma_start3A_139 = arith.constant 0 : i32
    %dma_start3A_140 = tpu.memref_slice %arg5[%dma_start3A_135, %dma_start3A_139] : memref<12x128xi32, #tpu.memory_space<vmem>> -> memref<1x128xi32, #tpu.memory_space<vmem>>
    %dma_start3A_141 = tpu.memref_squeeze %dma_start3A_140 : memref<1x128xi32, #tpu.memory_space<vmem>> -> memref<128xi32, #tpu.memory_space<vmem>>
    %dma_start3A_142 = arith.constant 0 : i32
    %dma_start3A_143 = arith.constant 0 : i32
    %dma_start3A_144 = tpu.memref_slice %arg2[%dma_start3A_142, %dma_start3A_143] : memref<507904x128xf32, #tpu.memory_space<hbm>> -> memref<507904x128xf32, #tpu.memory_space<hbm>>
    tpu.enqueue_indirect_dma source(%dma_start3A_144 : memref<507904x128xf32, #tpu.memory_space<hbm>>) target(%dma_start3A_138 : memref<128x128xf32, #tpu.memory_space<vmem>>) offsets(%dma_start3A_141 : memref<128xi32, #tpu.memory_space<vmem>>) semaphore(%arg7 : memref<!tpu.dma_semaphore, #tpu.memory_space<semaphore_mem>>)
    %dma_start3A_145 = arith.constant 8 : i32
    %dma_start3A_146 = arith.constant 256 : i32
    %dma_start3A_147 = arith.constant 0 : i32
    %dma_start3A_148 = tpu.memref_slice %arg6[%dma_start3A_146, %dma_start3A_147] : memref<768x128xf32, #tpu.memory_space<vmem>> -> memref<128x128xf32, #tpu.memory_space<vmem>>
    %dma_start3A_149 = arith.constant 0 : i32
    %dma_start3A_150 = tpu.memref_slice %arg5[%dma_start3A_145, %dma_start3A_149] : memref<12x128xi32, #tpu.memory_space<vmem>> -> memref<1x128xi32, #tpu.memory_space<vmem>>
    %dma_start3A_151 = tpu.memref_squeeze %dma_start3A_150 : memref<1x128xi32, #tpu.memory_space<vmem>> -> memref<128xi32, #tpu.memory_space<vmem>>
    %dma_start3A_152 = arith.constant 0 : i32
    %dma_start3A_153 = arith.constant 0 : i32
    %dma_start3A_154 = tpu.memref_slice %arg2[%dma_start3A_152, %dma_start3A_153] : memref<507904x128xf32, #tpu.memory_space<hbm>> -> memref<507904x128xf32, #tpu.memory_space<hbm>>
    tpu.enqueue_indirect_dma source(%dma_start3A_154 : memref<507904x128xf32, #tpu.memory_space<hbm>>) target(%dma_start3A_148 : memref<128x128xf32, #tpu.memory_space<vmem>>) offsets(%dma_start3A_151 : memref<128xi32, #tpu.memory_space<vmem>>) semaphore(%arg7 : memref<!tpu.dma_semaphore, #tpu.memory_space<semaphore_mem>>)
    %dma_start3A_155 = arith.constant 9 : i32
    %dma_start3A_156 = arith.constant 384 : i32
    %dma_start3A_157 = arith.constant 0 : i32
    %dma_start3A_158 = tpu.memref_slice %arg6[%dma_start3A_156, %dma_start3A_157] : memref<768x128xf32, #tpu.memory_space<vmem>> -> memref<128x128xf32, #tpu.memory_space<vmem>>
    %dma_start3A_159 = arith.constant 0 : i32
    %dma_start3A_160 = tpu.memref_slice %arg5[%dma_start3A_155, %dma_start3A_159] : memref<12x128xi32, #tpu.memory_space<vmem>> -> memref<1x128xi32, #tpu.memory_space<vmem>>
    %dma_start3A_161 = tpu.memref_squeeze %dma_start3A_160 : memref<1x128xi32, #tpu.memory_space<vmem>> -> memref<128xi32, #tpu.memory_space<vmem>>
    %dma_start3A_162 = arith.constant 0 : i32
    %dma_start3A_163 = arith.constant 0 : i32
    %dma_start3A_164 = tpu.memref_slice %arg2[%dma_start3A_162, %dma_start3A_163] : memref<507904x128xf32, #tpu.memory_space<hbm>> -> memref<507904x128xf32, #tpu.memory_space<hbm>>
    tpu.enqueue_indirect_dma source(%dma_start3A_164 : memref<507904x128xf32, #tpu.memory_space<hbm>>) target(%dma_start3A_158 : memref<128x128xf32, #tpu.memory_space<vmem>>) offsets(%dma_start3A_161 : memref<128xi32, #tpu.memory_space<vmem>>) semaphore(%arg7 : memref<!tpu.dma_semaphore, #tpu.memory_space<semaphore_mem>>)
    %dma_start3A_165 = arith.constant 10 : i32
    %dma_start3A_166 = arith.constant 512 : i32
    %dma_start3A_167 = arith.constant 0 : i32
    %dma_start3A_168 = tpu.memref_slice %arg6[%dma_start3A_166, %dma_start3A_167] : memref<768x128xf32, #tpu.memory_space<vmem>> -> memref<128x128xf32, #tpu.memory_space<vmem>>
    %dma_start3A_169 = arith.constant 0 : i32
    %dma_start3A_170 = tpu.memref_slice %arg5[%dma_start3A_165, %dma_start3A_169] : memref<12x128xi32, #tpu.memory_space<vmem>> -> memref<1x128xi32, #tpu.memory_space<vmem>>
    %dma_start3A_171 = tpu.memref_squeeze %dma_start3A_170 : memref<1x128xi32, #tpu.memory_space<vmem>> -> memref<128xi32, #tpu.memory_space<vmem>>
    %dma_start3A_172 = arith.constant 0 : i32
    %dma_start3A_173 = arith.constant 0 : i32
    %dma_start3A_174 = tpu.memref_slice %arg2[%dma_start3A_172, %dma_start3A_173] : memref<507904x128xf32, #tpu.memory_space<hbm>> -> memref<507904x128xf32, #tpu.memory_space<hbm>>
    tpu.enqueue_indirect_dma source(%dma_start3A_174 : memref<507904x128xf32, #tpu.memory_space<hbm>>) target(%dma_start3A_168 : memref<128x128xf32, #tpu.memory_space<vmem>>) offsets(%dma_start3A_171 : memref<128xi32, #tpu.memory_space<vmem>>) semaphore(%arg7 : memref<!tpu.dma_semaphore, #tpu.memory_space<semaphore_mem>>)
    %dma_start3A_175 = arith.constant 11 : i32
    %dma_start3A_176 = arith.constant 640 : i32
    %dma_start3A_177 = arith.constant 0 : i32
    %dma_start3A_178 = tpu.memref_slice %arg6[%dma_start3A_176, %dma_start3A_177] : memref<768x128xf32, #tpu.memory_space<vmem>> -> memref<128x128xf32, #tpu.memory_space<vmem>>
    %dma_start3A_179 = arith.constant 0 : i32
    %dma_start3A_180 = tpu.memref_slice %arg5[%dma_start3A_175, %dma_start3A_179] : memref<12x128xi32, #tpu.memory_space<vmem>> -> memref<1x128xi32, #tpu.memory_space<vmem>>
    %dma_start3A_181 = tpu.memref_squeeze %dma_start3A_180 : memref<1x128xi32, #tpu.memory_space<vmem>> -> memref<128xi32, #tpu.memory_space<vmem>>
    %dma_start3A_182 = arith.constant 0 : i32
    %dma_start3A_183 = arith.constant 0 : i32
    %dma_start3A_184 = tpu.memref_slice %arg2[%dma_start3A_182, %dma_start3A_183] : memref<507904x128xf32, #tpu.memory_space<hbm>> -> memref<507904x128xf32, #tpu.memory_space<hbm>>
    tpu.enqueue_indirect_dma source(%dma_start3A_184 : memref<507904x128xf32, #tpu.memory_space<hbm>>) target(%dma_start3A_178 : memref<128x128xf32, #tpu.memory_space<vmem>>) offsets(%dma_start3A_181 : memref<128xi32, #tpu.memory_space<vmem>>) semaphore(%arg7 : memref<!tpu.dma_semaphore, #tpu.memory_space<semaphore_mem>>)
    %dma_wait3A_185 = arith.constant 6 : i32
    %dma_wait3A_186 = arith.constant 0 : i32
    %dma_wait3A_187 = arith.constant 0 : i32
    %dma_wait3A_188 = tpu.memref_slice %arg6[%dma_wait3A_186, %dma_wait3A_187] : memref<768x128xf32, #tpu.memory_space<vmem>> -> memref<128x128xf32, #tpu.memory_space<vmem>>
    %dma_wait3A_189 = arith.constant 0 : i32
    %dma_wait3A_190 = tpu.memref_slice %arg5[%dma_wait3A_185, %dma_wait3A_189] : memref<12x128xi32, #tpu.memory_space<vmem>> -> memref<1x128xi32, #tpu.memory_space<vmem>>
    %dma_wait3A_191 = tpu.memref_squeeze %dma_wait3A_190 : memref<1x128xi32, #tpu.memory_space<vmem>> -> memref<128xi32, #tpu.memory_space<vmem>>
    %dma_wait3A_192 = arith.constant 0 : i32
    %dma_wait3A_193 = arith.constant 0 : i32
    %dma_wait3A_194 = tpu.memref_slice %arg2[%dma_wait3A_192, %dma_wait3A_193] : memref<507904x128xf32, #tpu.memory_space<hbm>> -> memref<507904x128xf32, #tpu.memory_space<hbm>>
    tpu.wait_indirect_dma semaphore(%arg7 : memref<!tpu.dma_semaphore, #tpu.memory_space<semaphore_mem>>) src(%dma_wait3A_194 : memref<507904x128xf32, #tpu.memory_space<hbm>>) dst(%dma_wait3A_188 : memref<128x128xf32, #tpu.memory_space<vmem>>)
    %dma_wait3A_195 = arith.constant 7 : i32
    %dma_wait3A_196 = arith.constant 128 : i32
    %dma_wait3A_197 = arith.constant 0 : i32
    %dma_wait3A_198 = tpu.memref_slice %arg6[%dma_wait3A_196, %dma_wait3A_197] : memref<768x128xf32, #tpu.memory_space<vmem>> -> memref<128x128xf32, #tpu.memory_space<vmem>>
    %dma_wait3A_199 = arith.constant 0 : i32
    %dma_wait3A_200 = tpu.memref_slice %arg5[%dma_wait3A_195, %dma_wait3A_199] : memref<12x128xi32, #tpu.memory_space<vmem>> -> memref<1x128xi32, #tpu.memory_space<vmem>>
    %dma_wait3A_201 = tpu.memref_squeeze %dma_wait3A_200 : memref<1x128xi32, #tpu.memory_space<vmem>> -> memref<128xi32, #tpu.memory_space<vmem>>
    %dma_wait3A_202 = arith.constant 0 : i32
    %dma_wait3A_203 = arith.constant 0 : i32
    %dma_wait3A_204 = tpu.memref_slice %arg2[%dma_wait3A_202, %dma_wait3A_203] : memref<507904x128xf32, #tpu.memory_space<hbm>> -> memref<507904x128xf32, #tpu.memory_space<hbm>>
    tpu.wait_indirect_dma semaphore(%arg7 : memref<!tpu.dma_semaphore, #tpu.memory_space<semaphore_mem>>) src(%dma_wait3A_204 : memref<507904x128xf32, #tpu.memory_space<hbm>>) dst(%dma_wait3A_198 : memref<128x128xf32, #tpu.memory_space<vmem>>)
    %dma_wait3A_205 = arith.constant 8 : i32
    %dma_wait3A_206 = arith.constant 256 : i32
    %dma_wait3A_207 = arith.constant 0 : i32
    %dma_wait3A_208 = tpu.memref_slice %arg6[%dma_wait3A_206, %dma_wait3A_207] : memref<768x128xf32, #tpu.memory_space<vmem>> -> memref<128x128xf32, #tpu.memory_space<vmem>>
    %dma_wait3A_209 = arith.constant 0 : i32
    %dma_wait3A_210 = tpu.memref_slice %arg5[%dma_wait3A_205, %dma_wait3A_209] : memref<12x128xi32, #tpu.memory_space<vmem>> -> memref<1x128xi32, #tpu.memory_space<vmem>>
    %dma_wait3A_211 = tpu.memref_squeeze %dma_wait3A_210 : memref<1x128xi32, #tpu.memory_space<vmem>> -> memref<128xi32, #tpu.memory_space<vmem>>
    %dma_wait3A_212 = arith.constant 0 : i32
    %dma_wait3A_213 = arith.constant 0 : i32
    %dma_wait3A_214 = tpu.memref_slice %arg2[%dma_wait3A_212, %dma_wait3A_213] : memref<507904x128xf32, #tpu.memory_space<hbm>> -> memref<507904x128xf32, #tpu.memory_space<hbm>>
    tpu.wait_indirect_dma semaphore(%arg7 : memref<!tpu.dma_semaphore, #tpu.memory_space<semaphore_mem>>) src(%dma_wait3A_214 : memref<507904x128xf32, #tpu.memory_space<hbm>>) dst(%dma_wait3A_208 : memref<128x128xf32, #tpu.memory_space<vmem>>)
    %dma_wait3A_215 = arith.constant 9 : i32
    %dma_wait3A_216 = arith.constant 384 : i32
    %dma_wait3A_217 = arith.constant 0 : i32
    %dma_wait3A_218 = tpu.memref_slice %arg6[%dma_wait3A_216, %dma_wait3A_217] : memref<768x128xf32, #tpu.memory_space<vmem>> -> memref<128x128xf32, #tpu.memory_space<vmem>>
    %dma_wait3A_219 = arith.constant 0 : i32
    %dma_wait3A_220 = tpu.memref_slice %arg5[%dma_wait3A_215, %dma_wait3A_219] : memref<12x128xi32, #tpu.memory_space<vmem>> -> memref<1x128xi32, #tpu.memory_space<vmem>>
    %dma_wait3A_221 = tpu.memref_squeeze %dma_wait3A_220 : memref<1x128xi32, #tpu.memory_space<vmem>> -> memref<128xi32, #tpu.memory_space<vmem>>
    %dma_wait3A_222 = arith.constant 0 : i32
    %dma_wait3A_223 = arith.constant 0 : i32
    %dma_wait3A_224 = tpu.memref_slice %arg2[%dma_wait3A_222, %dma_wait3A_223] : memref<507904x128xf32, #tpu.memory_space<hbm>> -> memref<507904x128xf32, #tpu.memory_space<hbm>>
    tpu.wait_indirect_dma semaphore(%arg7 : memref<!tpu.dma_semaphore, #tpu.memory_space<semaphore_mem>>) src(%dma_wait3A_224 : memref<507904x128xf32, #tpu.memory_space<hbm>>) dst(%dma_wait3A_218 : memref<128x128xf32, #tpu.memory_space<vmem>>)
    %dma_wait3A_225 = arith.constant 10 : i32
    %dma_wait3A_226 = arith.constant 512 : i32
    %dma_wait3A_227 = arith.constant 0 : i32
    %dma_wait3A_228 = tpu.memref_slice %arg6[%dma_wait3A_226, %dma_wait3A_227] : memref<768x128xf32, #tpu.memory_space<vmem>> -> memref<128x128xf32, #tpu.memory_space<vmem>>
    %dma_wait3A_229 = arith.constant 0 : i32
    %dma_wait3A_230 = tpu.memref_slice %arg5[%dma_wait3A_225, %dma_wait3A_229] : memref<12x128xi32, #tpu.memory_space<vmem>> -> memref<1x128xi32, #tpu.memory_space<vmem>>
    %dma_wait3A_231 = tpu.memref_squeeze %dma_wait3A_230 : memref<1x128xi32, #tpu.memory_space<vmem>> -> memref<128xi32, #tpu.memory_space<vmem>>
    %dma_wait3A_232 = arith.constant 0 : i32
    %dma_wait3A_233 = arith.constant 0 : i32
    %dma_wait3A_234 = tpu.memref_slice %arg2[%dma_wait3A_232, %dma_wait3A_233] : memref<507904x128xf32, #tpu.memory_space<hbm>> -> memref<507904x128xf32, #tpu.memory_space<hbm>>
    tpu.wait_indirect_dma semaphore(%arg7 : memref<!tpu.dma_semaphore, #tpu.memory_space<semaphore_mem>>) src(%dma_wait3A_234 : memref<507904x128xf32, #tpu.memory_space<hbm>>) dst(%dma_wait3A_228 : memref<128x128xf32, #tpu.memory_space<vmem>>)
    %dma_wait3A_235 = arith.constant 11 : i32
    %dma_wait3A_236 = arith.constant 640 : i32
    %dma_wait3A_237 = arith.constant 0 : i32
    %dma_wait3A_238 = tpu.memref_slice %arg6[%dma_wait3A_236, %dma_wait3A_237] : memref<768x128xf32, #tpu.memory_space<vmem>> -> memref<128x128xf32, #tpu.memory_space<vmem>>
    %dma_wait3A_239 = arith.constant 0 : i32
    %dma_wait3A_240 = tpu.memref_slice %arg5[%dma_wait3A_235, %dma_wait3A_239] : memref<12x128xi32, #tpu.memory_space<vmem>> -> memref<1x128xi32, #tpu.memory_space<vmem>>
    %dma_wait3A_241 = tpu.memref_squeeze %dma_wait3A_240 : memref<1x128xi32, #tpu.memory_space<vmem>> -> memref<128xi32, #tpu.memory_space<vmem>>
    %dma_wait3A_242 = arith.constant 0 : i32
    %dma_wait3A_243 = arith.constant 0 : i32
    %dma_wait3A_244 = tpu.memref_slice %arg2[%dma_wait3A_242, %dma_wait3A_243] : memref<507904x128xf32, #tpu.memory_space<hbm>> -> memref<507904x128xf32, #tpu.memory_space<hbm>>
    tpu.wait_indirect_dma semaphore(%arg7 : memref<!tpu.dma_semaphore, #tpu.memory_space<semaphore_mem>>) src(%dma_wait3A_244 : memref<507904x128xf32, #tpu.memory_space<hbm>>) dst(%dma_wait3A_238 : memref<128x128xf32, #tpu.memory_space<vmem>>)
    %mul3A_245 = arith.constant 1536 : i32
    %mul3A_246 = arith.muli %add3A, %mul3A_245 : i32
    %add3A_247 = arith.constant 768 : i32
    %add3A_248 = arith.addi %mul3A_246, %add3A_247 : i32
    "tpu.region"() ({
      %run_scoped3A = tpu.sem_alloc : memref<!tpu.dma_semaphore, #tpu.memory_space<semaphore_mem>>
      %dma_start3A_249 = arith.constant 0 : i32
      %dma_start3A_250 = tpu.memref_slice %arg4[%add3A_248, %dma_start3A_249] : memref<49152x128xf32, #tpu.memory_space<hbm>> -> memref<768x128xf32, #tpu.memory_space<hbm>>
      %dma_start3A_251 = arith.constant 0 : i32
      %dma_start3A_252 = tpu.memref_slice %arg4[%add3A_248, %dma_start3A_251] : memref<49152x128xf32, #tpu.memory_space<hbm>> -> memref<768x128xf32, #tpu.memory_space<hbm>>
      tpu.enqueue_dma source(%arg6 : memref<768x128xf32, #tpu.memory_space<vmem>>) target(%dma_start3A_252 : memref<768x128xf32, #tpu.memory_space<hbm>>) target_semaphore(%run_scoped3A : memref<!tpu.dma_semaphore, #tpu.memory_space<semaphore_mem>>)
      %dma_wait3A_253 = arith.constant 0 : i32
      %dma_wait3A_254 = tpu.memref_slice %arg4[%add3A_248, %dma_wait3A_253] : memref<49152x128xf32, #tpu.memory_space<hbm>> -> memref<768x128xf32, #tpu.memory_space<hbm>>
      %dma_wait3A_255 = arith.constant 0 : i32
      %dma_wait3A_256 = tpu.memref_slice %arg4[%add3A_248, %dma_wait3A_255] : memref<49152x128xf32, #tpu.memory_space<hbm>> -> memref<768x128xf32, #tpu.memory_space<hbm>>
      tpu.wait_dma2 semaphore(%run_scoped3A : memref<!tpu.dma_semaphore, #tpu.memory_space<semaphore_mem>>) src(%arg6 : memref<768x128xf32, #tpu.memory_space<vmem>>) dst(%dma_wait3A_256 : memref<768x128xf32, #tpu.memory_space<hbm>>)
      tpu.yield
    }) : () -> ()
    return
  }
}

module attributes {stable_mosaic.version = 14 : i64} {
  func.func @_tr_body(%arg0: i32, %arg1: memref<64x8192xf32, #tpu.memory_space<vmem>>, %arg2: memref<64x8192xf32, #tpu.memory_space<vmem>>, %arg3: memref<8192x128xf32, #tpu.memory_space<vmem>>) attributes {dimension_semantics = [#tpu.dimension_semantics<arbitrary>], iteration_bounds = array<i64: 62>, scalar_prefetch = 0 : i64, scratch_operands = 0 : i64, tpu.core_type = #tpu.core_type<tc>, window_params = [{transform_indices = @transform_0, window_bounds = array<i64: 64, 8192>}, {transform_indices = @transform_1, window_bounds = array<i64: 64, 8192>}, {transform_indices = @transform_2, window_bounds = array<i64: 8192, 128>}]} {
    %get3A = arith.constant 0 : index
    %get3A_0 = arith.constant 0 : index
    %get3A_1 = vector.load %arg1[%get3A, %get3A_0] : memref<64x8192xf32, #tpu.memory_space<vmem>>, vector<64x8192xf32>
    %transpose3A = tpu.transpose %get3A_1, [1, 0] : vector<64x8192xf32> -> vector<8192x64xf32>
    %swap3A = arith.constant 0 : index
    %swap3A_2 = arith.constant 0 : index
    %swap3A_3 = vector.load %arg3[%swap3A, %swap3A_2] : memref<8192x128xf32, #tpu.memory_space<vmem>>, vector<8192x64xf32>
    tpu.vector_store %arg3[%swap3A, %swap3A_2], %transpose3A {strides = array<i32>} : memref<8192x128xf32, #tpu.memory_space<vmem>>, vector<8192x64xf32>,
    %get3A_4 = arith.constant 0 : index
    %get3A_5 = arith.constant 0 : index
    %get3A_6 = vector.load %arg2[%get3A_4, %get3A_5] : memref<64x8192xf32, #tpu.memory_space<vmem>>, vector<64x8192xf32>
    %transpose3A_7 = tpu.transpose %get3A_6, [1, 0] : vector<64x8192xf32> -> vector<8192x64xf32>
    %swap3A_8 = arith.constant 0 : index
    %swap3A_9 = arith.constant 64 : index
    %swap3A_10 = vector.load %arg3[%swap3A_8, %swap3A_9] : memref<8192x128xf32, #tpu.memory_space<vmem>>, vector<8192x64xf32>
    tpu.vector_store %arg3[%swap3A_8, %swap3A_9], %transpose3A_7 {strides = array<i32>} : memref<8192x128xf32, #tpu.memory_space<vmem>>, vector<8192x64xf32>,
    return
  }
  func.func @transform_0(%arg0: i32) -> (i32, i32) {
    %c0_i32 = arith.constant 0 : i32
    %c0_i32_0 = arith.constant 0 : i32
    return %c0_i32, %arg0 : i32, i32
  }
  func.func @transform_1(%arg0: i32) -> (i32, i32) {
    %add3A = arith.constant 62 : i32
    %add3A_0 = arith.addi %add3A, %arg0 : i32
    %min3A = arith.constant 122 : i32
    %min3A_1 = arith.minsi %add3A_0, %min3A : i32
    %c0_i32 = arith.constant 0 : i32
    %c0_i32_2 = arith.constant 0 : i32
    return %c0_i32, %min3A_1 : i32, i32
  }
  func.func @transform_2(%arg0: i32) -> (i32, i32) {
    %c0_i32 = arith.constant 0 : i32
    %c0_i32_0 = arith.constant 0 : i32
    return %arg0, %c0_i32 : i32, i32
  }
}

module attributes {stable_mosaic.version = 14 : i64} {
  func.func @_tc_body(%arg0: i32, %arg1: memref<1024x128xf32, #tpu.memory_space<vmem>>, %arg2: memref<1024x128xf32, #tpu.memory_space<vmem>>, %arg3: memref<1024x128xf32, #tpu.memory_space<vmem>>, %arg4: memref<1024x1xi32, #tpu.memory_space<vmem>>, %arg5: memref<32x64xf32, #tpu.memory_space<vmem>>, %arg6: memref<64x2048xf32, #tpu.memory_space<vmem>>, %arg7: memref<1x1xf32, #tpu.memory_space<smem>>, %arg8: memref<8xf32, #tpu.memory_space<smem>>) attributes {dimension_semantics = [#tpu.dimension_semantics<arbitrary>], iteration_bounds = array<i64: 16>, scalar_prefetch = 0 : i64, scratch_operands = 1 : i64, tpu.core_type = #tpu.core_type<tc>, window_params = [{transform_indices = @transform_0, window_bounds = array<i64: 1024, 128>}, {transform_indices = @transform_1, window_bounds = array<i64: 1024, 128>}, {transform_indices = @transform_2, window_bounds = array<i64: 1024, 128>}, {transform_indices = @transform_3, window_bounds = array<i64: 1024, 1>}, {pipeline_mode = #tpu.pipeline_mode<synchronous>, transform_indices = @transform_4, window_bounds = array<i64: 32, 64>}, {pipeline_mode = #tpu.pipeline_mode<synchronous>, transform_indices = @transform_5, window_bounds = array<i64: 64, 2048>}, {transform_indices = @transform_6, window_bounds = array<i64: 1, 1>}]} {
    %eq3A = arith.constant 0 : i32
    %eq3A_0 = arith.cmpi eq, %arg0, %eq3A : i32
    %convert_element_type3A = arith.extui %eq3A_0 : i1 to i32
    %cond3A = arith.constant 0 : i32
    %cond3A_1 = arith.cmpi ne, %convert_element_type3A, %cond3A : i32
    scf.if %cond3A_1 {
      %swap3A_230 = arith.constant 0.000000e+00 : f32
      %swap3A_231 = arith.constant 0 : index
      %swap3A_232 = memref.load %arg8[%swap3A_231] : memref<8xf32, #tpu.memory_space<smem>>
      memref.store %swap3A_230, %arg8[%swap3A_231] : memref<8xf32, #tpu.memory_space<smem>>
      %swap3A_233 = arith.constant 0.000000e+00 : f32
      %swap3A_234 = arith.constant 1 : index
      %swap3A_235 = memref.load %arg8[%swap3A_234] : memref<8xf32, #tpu.memory_space<smem>>
      memref.store %swap3A_233, %arg8[%swap3A_234] : memref<8xf32, #tpu.memory_space<smem>>
      %swap3A_236 = arith.constant 0.000000e+00 : f32
      %swap3A_237 = arith.constant 2 : index
      %swap3A_238 = memref.load %arg8[%swap3A_237] : memref<8xf32, #tpu.memory_space<smem>>
      memref.store %swap3A_236, %arg8[%swap3A_237] : memref<8xf32, #tpu.memory_space<smem>>
      %swap3A_239 = arith.constant 0.000000e+00 : f32
      %swap3A_240 = arith.constant 3 : index
      %swap3A_241 = memref.load %arg8[%swap3A_240] : memref<8xf32, #tpu.memory_space<smem>>
      memref.store %swap3A_239, %arg8[%swap3A_240] : memref<8xf32, #tpu.memory_space<smem>>
      %swap3A_242 = arith.constant 0.000000e+00 : f32
      %swap3A_243 = arith.constant 4 : index
      %swap3A_244 = memref.load %arg8[%swap3A_243] : memref<8xf32, #tpu.memory_space<smem>>
      memref.store %swap3A_242, %arg8[%swap3A_243] : memref<8xf32, #tpu.memory_space<smem>>
    } else {
    }
    %get3A = arith.constant 0 : index
    %get3A_2 = arith.constant 0 : index
    %get3A_3 = vector.load %arg4[%get3A, %get3A_2] : memref<1024x1xi32, #tpu.memory_space<vmem>>, vector<1024x1xi32>
    %and3A = arith.constant 31 : i32
    %and3A_4 = vector.broadcast %and3A : i32 to vector<1024x1xi32>
    %and3A_5 = arith.andi %get3A_3, %and3A_4 : vector<1024x1xi32>
    %get3A_6 = arith.constant 0 : index
    %get3A_7 = arith.constant 0 : index
    %get3A_8 = vector.load %arg5[%get3A_6, %get3A_7] : memref<32x64xf32, #tpu.memory_space<vmem>>, vector<32x64xf32>
    %get3A_9 = arith.constant 0 : index
    %get3A_10 = arith.constant 0 : index
    %get3A_11 = vector.load %arg6[%get3A_9, %get3A_10] : memref<64x2048xf32, #tpu.memory_space<vmem>>, vector<64x2048xf32>
    %convert_element_type3A_12 = arith.truncf %get3A_11 : vector<64x2048xf32> to vector<64x2048xbf16>
    %iota3A = tpu.iota {dimensions = array<i32: 1>} : vector<1024x32xi32>
    %eq3A_13 = vector.broadcast %and3A_5 : vector<1024x1xi32> to vector<1024x32xi32>
    %eq3A_14 = arith.cmpi eq, %eq3A_13, %iota3A : vector<1024x32xi32>
    %convert_element_type3A_15 = arith.extui %eq3A_14 : vector<1024x32xi1> to vector<1024x32xi32>
    %convert_element_type3A_16 = arith.sitofp %convert_element_type3A_15 : vector<1024x32xi32> to vector<1024x32xf32>
    %dot_general3A = arith.constant dense<0.000000e+00> : vector<1024x64xf32>
    %dot_general3A_17 = tpu.matmul %convert_element_type3A_16, %get3A_8, %dot_general3A {dimension_numbers = #tpu.dot_dimension_numbers<[1], [0], [0], [1], [0, 0, 1, 1], [], []>, transpose_lhs_hint = false} : vector<1024x32xf32>, vector<32x64xf32>, vector<1024x64xf32> -> vector<1024x64xf32>
    %iota3A_18 = tpu.iota {dimensions = array<i32: 1>} : vector<1024x2048xi32>
    %jit3A = arith.constant 64 : i32
    %div3A = vector.broadcast %jit3A : i32 to vector<1024x2048xi32>
    %div3A_19 = arith.divsi %iota3A_18, %div3A : vector<1024x2048xi32>
    %sign3A = arith.constant 0 : i32
    %sign3A_20 = vector.broadcast %sign3A : i32 to vector<1024x2048xi32>
    %sign3A_21 = arith.cmpi sgt, %iota3A_18, %sign3A_20 : vector<1024x2048xi32>
    %sign3A_22 = arith.extui %sign3A_21 : vector<1024x2048xi1> to vector<1024x2048xi32>
    %sign3A_23 = arith.constant 0 : i32
    %sign3A_24 = vector.broadcast %sign3A_23 : i32 to vector<1024x2048xi32>
    %sign3A_25 = arith.cmpi slt, %iota3A_18, %sign3A_24 : vector<1024x2048xi32>
    %sign3A_26 = arith.extui %sign3A_25 : vector<1024x2048xi1> to vector<1024x2048xi32>
    %sign3A_27 = arith.subi %sign3A_22, %sign3A_26 : vector<1024x2048xi32>
    %sign3A_28 = arith.constant 0 : i32
    %sign3A_29 = arith.cmpi sgt, %jit3A, %sign3A_28 : i32
    %sign3A_30 = arith.extui %sign3A_29 : i1 to i32
    %sign3A_31 = arith.constant 0 : i32
    %sign3A_32 = arith.cmpi slt, %jit3A, %sign3A_31 : i32
    %sign3A_33 = arith.extui %sign3A_32 : i1 to i32
    %sign3A_34 = arith.subi %sign3A_30, %sign3A_33 : i32
    %ne3A = vector.broadcast %sign3A_34 : i32 to vector<1024x2048xi32>
    %ne3A_35 = arith.cmpi ne, %sign3A_27, %ne3A : vector<1024x2048xi32>
    %rem3A = vector.broadcast %jit3A : i32 to vector<1024x2048xi32>
    %rem3A_36 = arith.remsi %iota3A_18, %rem3A : vector<1024x2048xi32>
    %ne3A_37 = arith.constant 0 : i32
    %ne3A_38 = vector.broadcast %ne3A_37 : i32 to vector<1024x2048xi32>
    %ne3A_39 = arith.cmpi ne, %rem3A_36, %ne3A_38 : vector<1024x2048xi32>
    %and3A_40 = arith.andi %ne3A_35, %ne3A_39 : vector<1024x2048xi1>
    %sub3A = arith.constant 1 : i32
    %sub3A_41 = vector.broadcast %sub3A : i32 to vector<1024x2048xi32>
    %sub3A_42 = arith.subi %div3A_19, %sub3A_41 : vector<1024x2048xi32>
    %select_n3A = arith.select %and3A_40, %sub3A_42, %div3A_19 : vector<1024x2048xi1>, vector<1024x2048xi32>
    %get3A_43 = arith.constant 0 : index
    %get3A_44 = arith.constant 0 : index
    %get3A_45 = vector.load %arg1[%get3A_43, %get3A_44] : memref<1024x128xf32, #tpu.memory_space<vmem>>, vector<1024x128xf32>
    %and3A_46 = arith.constant 32 : i32
    %and3A_47 = vector.broadcast %and3A_46 : i32 to vector<1024x1xi32>
    %and3A_48 = arith.andi %get3A_3, %and3A_47 : vector<1024x1xi32>
    %eq3A_49 = arith.constant 0 : i32
    %eq3A_50 = vector.broadcast %eq3A_49 : i32 to vector<1024x1xi32>
    %eq3A_51 = arith.cmpi eq, %and3A_48, %eq3A_50 : vector<1024x1xi32>
    %slice3A = vector.extract_strided_slice %get3A_45 {offsets = [0, 0], sizes = [1024, 64], strides = [1, 1]} : vector<1024x128xf32> to vector<1024x64xf32>
    %slice3A_52 = vector.extract_strided_slice %get3A_45 {offsets = [0, 64], sizes = [1024, 64], strides = [1, 1]} : vector<1024x128xf32> to vector<1024x64xf32>
    %broadcast_in_dim3A = vector.shape_cast %eq3A_51 : vector<1024x1xi1> to vector<1024x1xi1>
    %broadcast_in_dim3A_53 = vector.broadcast %broadcast_in_dim3A : vector<1024x1xi1> to vector<1024x64xi1>
    %select_n3A_54 = arith.select %broadcast_in_dim3A_53, %slice3A, %slice3A_52 : vector<1024x64xi1>, vector<1024x64xf32>
    %convert_element_type3A_55 = arith.truncf %select_n3A_54 : vector<1024x64xf32> to vector<1024x64xbf16>
    %dot_general3A_56 = arith.constant dense<0.000000e+00> : vector<1024x2048xf32>
    %dot_general3A_57 = tpu.matmul %convert_element_type3A_55, %convert_element_type3A_12, %dot_general3A_56 {dimension_numbers = #tpu.dot_dimension_numbers<[1], [0], [0], [1], [0, 0, 1, 1], [], []>, transpose_lhs_hint = false} : vector<1024x64xbf16>, vector<64x2048xbf16>, vector<1024x2048xf32> -> vector<1024x2048xf32>
    %eq3A_58 = vector.broadcast %and3A_5 : vector<1024x1xi32> to vector<1024x2048xi32>
    %eq3A_59 = arith.cmpi eq, %eq3A_58, %select_n3A : vector<1024x2048xi32>
    %jit3A_60 = arith.constant 0.000000e+00 : f32
    %broadcast_in_dim3A_61 = vector.broadcast %jit3A_60 : f32 to vector<1024x2048xf32>
    %select_n3A_62 = arith.select %eq3A_59, %dot_general3A_57, %broadcast_in_dim3A_61 : vector<1024x2048xi1>, vector<1024x2048xf32>
    %slice3A_63 = vector.extract_strided_slice %select_n3A_62 {offsets = [0, 0], sizes = [1024, 1024], strides = [1, 1]} : vector<1024x2048xf32> to vector<1024x1024xf32>
    %slice3A_64 = vector.extract_strided_slice %select_n3A_62 {offsets = [0, 1024], sizes = [1024, 1024], strides = [1, 1]} : vector<1024x2048xf32> to vector<1024x1024xf32>
    %add3A = arith.addf %slice3A_63, %slice3A_64 : vector<1024x1024xf32>
    %slice3A_65 = vector.extract_strided_slice %add3A {offsets = [0, 0], sizes = [1024, 512], strides = [1, 1]} : vector<1024x1024xf32> to vector<1024x512xf32>
    %slice3A_66 = vector.extract_strided_slice %add3A {offsets = [0, 512], sizes = [1024, 512], strides = [1, 1]} : vector<1024x1024xf32> to vector<1024x512xf32>
    %add3A_67 = arith.addf %slice3A_65, %slice3A_66 : vector<1024x512xf32>
    %slice3A_68 = vector.extract_strided_slice %add3A_67 {offsets = [0, 0], sizes = [1024, 256], strides = [1, 1]} : vector<1024x512xf32> to vector<1024x256xf32>
    %slice3A_69 = vector.extract_strided_slice %add3A_67 {offsets = [0, 256], sizes = [1024, 256], strides = [1, 1]} : vector<1024x512xf32> to vector<1024x256xf32>
    %add3A_70 = arith.addf %slice3A_68, %slice3A_69 : vector<1024x256xf32>
    %slice3A_71 = vector.extract_strided_slice %add3A_70 {offsets = [0, 0], sizes = [1024, 128], strides = [1, 1]} : vector<1024x256xf32> to vector<1024x128xf32>
    %slice3A_72 = vector.extract_strided_slice %add3A_70 {offsets = [0, 128], sizes = [1024, 128], strides = [1, 1]} : vector<1024x256xf32> to vector<1024x128xf32>
    %add3A_73 = arith.addf %slice3A_71, %slice3A_72 : vector<1024x128xf32>
    %slice3A_74 = vector.extract_strided_slice %add3A_73 {offsets = [0, 0], sizes = [1024, 64], strides = [1, 1]} : vector<1024x128xf32> to vector<1024x64xf32>
    %slice3A_75 = vector.extract_strided_slice %add3A_73 {offsets = [0, 64], sizes = [1024, 64], strides = [1, 1]} : vector<1024x128xf32> to vector<1024x64xf32>
    %add3A_76 = arith.addf %slice3A_74, %slice3A_75 : vector<1024x64xf32>
    %get3A_77 = arith.constant 0 : index
    %get3A_78 = arith.constant 0 : index
    %get3A_79 = vector.load %arg2[%get3A_77, %get3A_78] : memref<1024x128xf32, #tpu.memory_space<vmem>>, vector<1024x128xf32>
    %and3A_80 = arith.constant 64 : i32
    %and3A_81 = vector.broadcast %and3A_80 : i32 to vector<1024x1xi32>
    %and3A_82 = arith.andi %get3A_3, %and3A_81 : vector<1024x1xi32>
    %eq3A_83 = arith.constant 0 : i32
    %eq3A_84 = vector.broadcast %eq3A_83 : i32 to vector<1024x1xi32>
    %eq3A_85 = arith.cmpi eq, %and3A_82, %eq3A_84 : vector<1024x1xi32>
    %slice3A_86 = vector.extract_strided_slice %get3A_79 {offsets = [0, 0], sizes = [1024, 64], strides = [1, 1]} : vector<1024x128xf32> to vector<1024x64xf32>
    %slice3A_87 = vector.extract_strided_slice %get3A_79 {offsets = [0, 64], sizes = [1024, 64], strides = [1, 1]} : vector<1024x128xf32> to vector<1024x64xf32>
    %broadcast_in_dim3A_88 = vector.shape_cast %eq3A_85 : vector<1024x1xi1> to vector<1024x1xi1>
    %broadcast_in_dim3A_89 = vector.broadcast %broadcast_in_dim3A_88 : vector<1024x1xi1> to vector<1024x64xi1>
    %select_n3A_90 = arith.select %broadcast_in_dim3A_89, %slice3A_86, %slice3A_87 : vector<1024x64xi1>, vector<1024x64xf32>
    %convert_element_type3A_91 = arith.truncf %select_n3A_90 : vector<1024x64xf32> to vector<1024x64xbf16>
    %dot_general3A_92 = arith.constant dense<0.000000e+00> : vector<1024x2048xf32>
    %dot_general3A_93 = tpu.matmul %convert_element_type3A_91, %convert_element_type3A_12, %dot_general3A_92 {dimension_numbers = #tpu.dot_dimension_numbers<[1], [0], [0], [1], [0, 0, 1, 1], [], []>, transpose_lhs_hint = false} : vector<1024x64xbf16>, vector<64x2048xbf16>, vector<1024x2048xf32> -> vector<1024x2048xf32>
    %eq3A_94 = vector.broadcast %and3A_5 : vector<1024x1xi32> to vector<1024x2048xi32>
    %eq3A_95 = arith.cmpi eq, %eq3A_94, %select_n3A : vector<1024x2048xi32>
    %jit3A_96 = arith.constant 0.000000e+00 : f32
    %broadcast_in_dim3A_97 = vector.broadcast %jit3A_96 : f32 to vector<1024x2048xf32>
    %select_n3A_98 = arith.select %eq3A_95, %dot_general3A_93, %broadcast_in_dim3A_97 : vector<1024x2048xi1>, vector<1024x2048xf32>
    %slice3A_99 = vector.extract_strided_slice %select_n3A_98 {offsets = [0, 0], sizes = [1024, 1024], strides = [1, 1]} : vector<1024x2048xf32> to vector<1024x1024xf32>
    %slice3A_100 = vector.extract_strided_slice %select_n3A_98 {offsets = [0, 1024], sizes = [1024, 1024], strides = [1, 1]} : vector<1024x2048xf32> to vector<1024x1024xf32>
    %add3A_101 = arith.addf %slice3A_99, %slice3A_100 : vector<1024x1024xf32>
    %slice3A_102 = vector.extract_strided_slice %add3A_101 {offsets = [0, 0], sizes = [1024, 512], strides = [1, 1]} : vector<1024x1024xf32> to vector<1024x512xf32>
    %slice3A_103 = vector.extract_strided_slice %add3A_101 {offsets = [0, 512], sizes = [1024, 512], strides = [1, 1]} : vector<1024x1024xf32> to vector<1024x512xf32>
    %add3A_104 = arith.addf %slice3A_102, %slice3A_103 : vector<1024x512xf32>
    %slice3A_105 = vector.extract_strided_slice %add3A_104 {offsets = [0, 0], sizes = [1024, 256], strides = [1, 1]} : vector<1024x512xf32> to vector<1024x256xf32>
    %slice3A_106 = vector.extract_strided_slice %add3A_104 {offsets = [0, 256], sizes = [1024, 256], strides = [1, 1]} : vector<1024x512xf32> to vector<1024x256xf32>
    %add3A_107 = arith.addf %slice3A_105, %slice3A_106 : vector<1024x256xf32>
    %slice3A_108 = vector.extract_strided_slice %add3A_107 {offsets = [0, 0], sizes = [1024, 128], strides = [1, 1]} : vector<1024x256xf32> to vector<1024x128xf32>
    %slice3A_109 = vector.extract_strided_slice %add3A_107 {offsets = [0, 128], sizes = [1024, 128], strides = [1, 1]} : vector<1024x256xf32> to vector<1024x128xf32>
    %add3A_110 = arith.addf %slice3A_108, %slice3A_109 : vector<1024x128xf32>
    %slice3A_111 = vector.extract_strided_slice %add3A_110 {offsets = [0, 0], sizes = [1024, 64], strides = [1, 1]} : vector<1024x128xf32> to vector<1024x64xf32>
    %slice3A_112 = vector.extract_strided_slice %add3A_110 {offsets = [0, 64], sizes = [1024, 64], strides = [1, 1]} : vector<1024x128xf32> to vector<1024x64xf32>
    %add3A_113 = arith.addf %slice3A_111, %slice3A_112 : vector<1024x64xf32>
    %get3A_114 = arith.constant 0 : index
    %get3A_115 = arith.constant 0 : index
    %get3A_116 = vector.load %arg3[%get3A_114, %get3A_115] : memref<1024x128xf32, #tpu.memory_space<vmem>>, vector<1024x128xf32>
    %and3A_117 = arith.constant 128 : i32
    %and3A_118 = vector.broadcast %and3A_117 : i32 to vector<1024x1xi32>
    %and3A_119 = arith.andi %get3A_3, %and3A_118 : vector<1024x1xi32>
    %eq3A_120 = arith.constant 0 : i32
    %eq3A_121 = vector.broadcast %eq3A_120 : i32 to vector<1024x1xi32>
    %eq3A_122 = arith.cmpi eq, %and3A_119, %eq3A_121 : vector<1024x1xi32>
    %slice3A_123 = vector.extract_strided_slice %get3A_116 {offsets = [0, 0], sizes = [1024, 64], strides = [1, 1]} : vector<1024x128xf32> to vector<1024x64xf32>
    %slice3A_124 = vector.extract_strided_slice %get3A_116 {offsets = [0, 64], sizes = [1024, 64], strides = [1, 1]} : vector<1024x128xf32> to vector<1024x64xf32>
    %broadcast_in_dim3A_125 = vector.shape_cast %eq3A_122 : vector<1024x1xi1> to vector<1024x1xi1>
    %broadcast_in_dim3A_126 = vector.broadcast %broadcast_in_dim3A_125 : vector<1024x1xi1> to vector<1024x64xi1>
    %select_n3A_127 = arith.select %broadcast_in_dim3A_126, %slice3A_123, %slice3A_124 : vector<1024x64xi1>, vector<1024x64xf32>
    %convert_element_type3A_128 = arith.truncf %select_n3A_127 : vector<1024x64xf32> to vector<1024x64xbf16>
    %dot_general3A_129 = arith.constant dense<0.000000e+00> : vector<1024x2048xf32>
    %dot_general3A_130 = tpu.matmul %convert_element_type3A_128, %convert_element_type3A_12, %dot_general3A_129 {dimension_numbers = #tpu.dot_dimension_numbers<[1], [0], [0], [1], [0, 0, 1, 1], [], []>, transpose_lhs_hint = false} : vector<1024x64xbf16>, vector<64x2048xbf16>, vector<1024x2048xf32> -> vector<1024x2048xf32>
    %eq3A_131 = vector.broadcast %and3A_5 : vector<1024x1xi32> to vector<1024x2048xi32>
    %eq3A_132 = arith.cmpi eq, %eq3A_131, %select_n3A : vector<1024x2048xi32>
    %jit3A_133 = arith.constant 0.000000e+00 : f32
    %broadcast_in_dim3A_134 = vector.broadcast %jit3A_133 : f32 to vector<1024x2048xf32>
    %select_n3A_135 = arith.select %eq3A_132, %dot_general3A_130, %broadcast_in_dim3A_134 : vector<1024x2048xi1>, vector<1024x2048xf32>
    %slice3A_136 = vector.extract_strided_slice %select_n3A_135 {offsets = [0, 0], sizes = [1024, 1024], strides = [1, 1]} : vector<1024x2048xf32> to vector<1024x1024xf32>
    %slice3A_137 = vector.extract_strided_slice %select_n3A_135 {offsets = [0, 1024], sizes = [1024, 1024], strides = [1, 1]} : vector<1024x2048xf32> to vector<1024x1024xf32>
    %add3A_138 = arith.addf %slice3A_136, %slice3A_137 : vector<1024x1024xf32>
    %slice3A_139 = vector.extract_strided_slice %add3A_138 {offsets = [0, 0], sizes = [1024, 512], strides = [1, 1]} : vector<1024x1024xf32> to vector<1024x512xf32>
    %slice3A_140 = vector.extract_strided_slice %add3A_138 {offsets = [0, 512], sizes = [1024, 512], strides = [1, 1]} : vector<1024x1024xf32> to vector<1024x512xf32>
    %add3A_141 = arith.addf %slice3A_139, %slice3A_140 : vector<1024x512xf32>
    %slice3A_142 = vector.extract_strided_slice %add3A_141 {offsets = [0, 0], sizes = [1024, 256], strides = [1, 1]} : vector<1024x512xf32> to vector<1024x256xf32>
    %slice3A_143 = vector.extract_strided_slice %add3A_141 {offsets = [0, 256], sizes = [1024, 256], strides = [1, 1]} : vector<1024x512xf32> to vector<1024x256xf32>
    %add3A_144 = arith.addf %slice3A_142, %slice3A_143 : vector<1024x256xf32>
    %slice3A_145 = vector.extract_strided_slice %add3A_144 {offsets = [0, 0], sizes = [1024, 128], strides = [1, 1]} : vector<1024x256xf32> to vector<1024x128xf32>
    %slice3A_146 = vector.extract_strided_slice %add3A_144 {offsets = [0, 128], sizes = [1024, 128], strides = [1, 1]} : vector<1024x256xf32> to vector<1024x128xf32>
    %add3A_147 = arith.addf %slice3A_145, %slice3A_146 : vector<1024x128xf32>
    %slice3A_148 = vector.extract_strided_slice %add3A_147 {offsets = [0, 0], sizes = [1024, 64], strides = [1, 1]} : vector<1024x128xf32> to vector<1024x64xf32>
    %slice3A_149 = vector.extract_strided_slice %add3A_147 {offsets = [0, 64], sizes = [1024, 64], strides = [1, 1]} : vector<1024x128xf32> to vector<1024x64xf32>
    %add3A_150 = arith.addf %slice3A_148, %slice3A_149 : vector<1024x64xf32>
    %add3A_151 = arith.addf %add3A_76, %dot_general3A_17 : vector<1024x64xf32>
    %sub3A_152 = arith.subf %add3A_151, %add3A_113 : vector<1024x64xf32>
    %sub3A_153 = arith.subf %add3A_151, %add3A_150 : vector<1024x64xf32>
    %mul3A = arith.mulf %sub3A_152, %sub3A_152 : vector<1024x64xf32>
    %reduce_sum3A = arith.constant dense<0.000000e+00> : vector<1024xf32>
    %reduce_sum3A_154 = vector.multi_reduction <add>, %mul3A, %reduce_sum3A [1] : vector<1024x64xf32> to vector<1024xf32>
    %broadcast_in_dim3A_155 = vector.shape_cast %reduce_sum3A_154 : vector<1024xf32> to vector<1024x1xf32>
    %mul3A_156 = arith.mulf %sub3A_153, %sub3A_153 : vector<1024x64xf32>
    %reduce_sum3A_157 = arith.constant dense<0.000000e+00> : vector<1024xf32>
    %reduce_sum3A_158 = vector.multi_reduction <add>, %mul3A_156, %reduce_sum3A_157 [1] : vector<1024x64xf32> to vector<1024xf32>
    %broadcast_in_dim3A_159 = vector.shape_cast %reduce_sum3A_158 : vector<1024xf32> to vector<1024x1xf32>
    %sub3A_160 = arith.subf %broadcast_in_dim3A_159, %broadcast_in_dim3A_155 : vector<1024x1xf32>
    %neg3A = arith.constant 0.000000e+00 : f32
    %neg3A_161 = vector.broadcast %neg3A : f32 to vector<1024x1xf32>
    %neg3A_162 = arith.subf %neg3A_161, %sub3A_160 : vector<1024x1xf32>
    %max3A = arith.constant 0.000000e+00 : f32
    %max3A_163 = vector.broadcast %max3A : f32 to vector<1024x1xf32>
    %max3A_164 = arith.maximumf %neg3A_162, %max3A_163 : vector<1024x1xf32>
    %abs3A = math.absf %sub3A_160 : vector<1024x1xf32>
    %neg3A_165 = arith.constant 0.000000e+00 : f32
    %neg3A_166 = vector.broadcast %neg3A_165 : f32 to vector<1024x1xf32>
    %neg3A_167 = arith.subf %neg3A_166, %abs3A : vector<1024x1xf32>
    %exp3A = math.exp %neg3A_167 : vector<1024x1xf32>
    %add3A_168 = arith.constant 1.000000e+00 : f32
    %add3A_169 = vector.broadcast %add3A_168 : f32 to vector<1024x1xf32>
    %add3A_170 = arith.addf %add3A_169, %exp3A : vector<1024x1xf32>
    %log3A = math.log %add3A_170 : vector<1024x1xf32>
    %add3A_171 = arith.addf %max3A_164, %log3A : vector<1024x1xf32>
    %get3A_172 = arith.constant 0 : index
    %get3A_173 = memref.load %arg8[%get3A_172] : memref<8xf32, #tpu.memory_space<smem>>
    %reduce_sum3A_174 = vector.shape_cast %add3A_171 : vector<1024x1xf32> to vector<1x1024x1xf32>
    %reduce_sum3A_175 = arith.constant dense<0.000000e+00> : vector<1xf32>
    %reduce_sum3A_176 = vector.multi_reduction <add>, %reduce_sum3A_174, %reduce_sum3A_175 [1, 2] : vector<1x1024x1xf32> to vector<1xf32>
    %reduce_sum3A_177 = vector.shape_cast %reduce_sum3A_176 : vector<1xf32> to vector<1x1x1xf32>
    %reduce_sum3A_178 = vector.extract %reduce_sum3A_177[0, 0, 0] : f32 from vector<1x1x1xf32>
    %add3A_179 = arith.addf %get3A_173, %reduce_sum3A_178 : f32
    %swap3A = arith.constant 0 : index
    %swap3A_180 = memref.load %arg8[%swap3A] : memref<8xf32, #tpu.memory_space<smem>>
    memref.store %add3A_179, %arg8[%swap3A] : memref<8xf32, #tpu.memory_space<smem>>
    %get3A_181 = arith.constant 1 : index
    %get3A_182 = memref.load %arg8[%get3A_181] : memref<8xf32, #tpu.memory_space<smem>>
    %mul3A_183 = arith.mulf %add3A_76, %add3A_76 : vector<1024x64xf32>
    %reduce_sum3A_184 = vector.shape_cast %mul3A_183 : vector<1024x64xf32> to vector<1x1024x64xf32>
    %reduce_sum3A_185 = arith.constant dense<0.000000e+00> : vector<1xf32>
    %reduce_sum3A_186 = vector.multi_reduction <add>, %reduce_sum3A_184, %reduce_sum3A_185 [1, 2] : vector<1x1024x64xf32> to vector<1xf32>
    %reduce_sum3A_187 = vector.shape_cast %reduce_sum3A_186 : vector<1xf32> to vector<1x1x1xf32>
    %reduce_sum3A_188 = vector.extract %reduce_sum3A_187[0, 0, 0] : f32 from vector<1x1x1xf32>
    %add3A_189 = arith.addf %get3A_182, %reduce_sum3A_188 : f32
    %swap3A_190 = arith.constant 1 : index
    %swap3A_191 = memref.load %arg8[%swap3A_190] : memref<8xf32, #tpu.memory_space<smem>>
    memref.store %add3A_189, %arg8[%swap3A_190] : memref<8xf32, #tpu.memory_space<smem>>
    %get3A_192 = arith.constant 2 : index
    %get3A_193 = memref.load %arg8[%get3A_192] : memref<8xf32, #tpu.memory_space<smem>>
    %mul3A_194 = arith.mulf %dot_general3A_17, %dot_general3A_17 : vector<1024x64xf32>
    %reduce_sum3A_195 = vector.shape_cast %mul3A_194 : vector<1024x64xf32> to vector<1x1024x64xf32>
    %reduce_sum3A_196 = arith.constant dense<0.000000e+00> : vector<1xf32>
    %reduce_sum3A_197 = vector.multi_reduction <add>, %reduce_sum3A_195, %reduce_sum3A_196 [1, 2] : vector<1x1024x64xf32> to vector<1xf32>
    %reduce_sum3A_198 = vector.shape_cast %reduce_sum3A_197 : vector<1xf32> to vector<1x1x1xf32>
    %reduce_sum3A_199 = vector.extract %reduce_sum3A_198[0, 0, 0] : f32 from vector<1x1x1xf32>
    %add3A_200 = arith.addf %get3A_193, %reduce_sum3A_199 : f32
    %swap3A_201 = arith.constant 2 : index
    %swap3A_202 = memref.load %arg8[%swap3A_201] : memref<8xf32, #tpu.memory_space<smem>>
    memref.store %add3A_200, %arg8[%swap3A_201] : memref<8xf32, #tpu.memory_space<smem>>
    %get3A_203 = arith.constant 3 : index
    %get3A_204 = memref.load %arg8[%get3A_203] : memref<8xf32, #tpu.memory_space<smem>>
    %mul3A_205 = arith.mulf %add3A_113, %add3A_113 : vector<1024x64xf32>
    %reduce_sum3A_206 = vector.shape_cast %mul3A_205 : vector<1024x64xf32> to vector<1x1024x64xf32>
    %reduce_sum3A_207 = arith.constant dense<0.000000e+00> : vector<1xf32>
    %reduce_sum3A_208 = vector.multi_reduction <add>, %reduce_sum3A_206, %reduce_sum3A_207 [1, 2] : vector<1x1024x64xf32> to vector<1xf32>
    %reduce_sum3A_209 = vector.shape_cast %reduce_sum3A_208 : vector<1xf32> to vector<1x1x1xf32>
    %reduce_sum3A_210 = vector.extract %reduce_sum3A_209[0, 0, 0] : f32 from vector<1x1x1xf32>
    %add3A_211 = arith.addf %get3A_204, %reduce_sum3A_210 : f32
    %swap3A_212 = arith.constant 3 : index
    %swap3A_213 = memref.load %arg8[%swap3A_212] : memref<8xf32, #tpu.memory_space<smem>>
    memref.store %add3A_211, %arg8[%swap3A_212] : memref<8xf32, #tpu.memory_space<smem>>
    %get3A_214 = arith.constant 4 : index
    %get3A_215 = memref.load %arg8[%get3A_214] : memref<8xf32, #tpu.memory_space<smem>>
    %mul3A_216 = arith.mulf %add3A_150, %add3A_150 : vector<1024x64xf32>
    %reduce_sum3A_217 = vector.shape_cast %mul3A_216 : vector<1024x64xf32> to vector<1x1024x64xf32>
    %reduce_sum3A_218 = arith.constant dense<0.000000e+00> : vector<1xf32>
    %reduce_sum3A_219 = vector.multi_reduction <add>, %reduce_sum3A_217, %reduce_sum3A_218 [1, 2] : vector<1x1024x64xf32> to vector<1xf32>
    %reduce_sum3A_220 = vector.shape_cast %reduce_sum3A_219 : vector<1xf32> to vector<1x1x1xf32>
    %reduce_sum3A_221 = vector.extract %reduce_sum3A_220[0, 0, 0] : f32 from vector<1x1x1xf32>
    %add3A_222 = arith.addf %get3A_215, %reduce_sum3A_221 : f32
    %swap3A_223 = arith.constant 4 : index
    %swap3A_224 = memref.load %arg8[%swap3A_223] : memref<8xf32, #tpu.memory_space<smem>>
    memref.store %add3A_222, %arg8[%swap3A_223] : memref<8xf32, #tpu.memory_space<smem>>
    %eq3A_225 = arith.constant 15 : i32
    %eq3A_226 = arith.cmpi eq, %arg0, %eq3A_225 : i32
    %convert_element_type3A_227 = arith.extui %eq3A_226 : i1 to i32
    %cond3A_228 = arith.constant 0 : i32
    %cond3A_229 = arith.cmpi ne, %convert_element_type3A_227, %cond3A_228 : i32
    scf.if %cond3A_229 {
      %get3A_230 = arith.constant 0 : index
      %get3A_231 = memref.load %arg8[%get3A_230] : memref<8xf32, #tpu.memory_space<smem>>
      %div3A_232 = arith.constant 1.638400e+04 : f32
      %div3A_233 = arith.divf %get3A_231, %div3A_232 : f32
      %get3A_234 = arith.constant 1 : index
      %get3A_235 = memref.load %arg8[%get3A_234] : memref<8xf32, #tpu.memory_space<smem>>
      %get3A_236 = arith.constant 2 : index
      %get3A_237 = memref.load %arg8[%get3A_236] : memref<8xf32, #tpu.memory_space<smem>>
      %add3A_238 = arith.addf %get3A_235, %get3A_237 : f32
      %get3A_239 = arith.constant 3 : index
      %get3A_240 = memref.load %arg8[%get3A_239] : memref<8xf32, #tpu.memory_space<smem>>
      %add3A_241 = arith.addf %add3A_238, %get3A_240 : f32
      %get3A_242 = arith.constant 4 : index
      %get3A_243 = memref.load %arg8[%get3A_242] : memref<8xf32, #tpu.memory_space<smem>>
      %add3A_244 = arith.addf %add3A_241, %get3A_243 : f32
      %div3A_245 = arith.constant 3.276800e+04 : f32
      %div3A_246 = arith.divf %add3A_244, %div3A_245 : f32
      %mul3A_247 = arith.constant 9.99999974E-6 : f32
      %mul3A_248 = arith.mulf %mul3A_247, %div3A_246 : f32
      %add3A_249 = arith.addf %div3A_233, %mul3A_248 : f32
      %swap3A_250 = arith.constant 0 : index
      %swap3A_251 = arith.constant 0 : index
      %swap3A_252 = memref.load %arg7[%swap3A_250, %swap3A_251] : memref<1x1xf32, #tpu.memory_space<smem>>
      memref.store %add3A_249, %arg7[%swap3A_250, %swap3A_251] : memref<1x1xf32, #tpu.memory_space<smem>>
    } else {
    }
    return
  }
  func.func @transform_0(%arg0: i32) -> (i32, i32) {
    %c0_i32 = arith.constant 0 : i32
    %c0_i32_0 = arith.constant 0 : i32
    return %arg0, %c0_i32 : i32, i32
  }
  func.func @transform_1(%arg0: i32) -> (i32, i32) {
    %add3A = arith.constant 16 : i32
    %add3A_0 = arith.addi %add3A, %arg0 : i32
    %c0_i32 = arith.constant 0 : i32
    %c0_i32_1 = arith.constant 0 : i32
    return %add3A_0, %c0_i32 : i32, i32
  }
  func.func @transform_2(%arg0: i32) -> (i32, i32) {
    %add3A = arith.constant 32 : i32
    %add3A_0 = arith.addi %add3A, %arg0 : i32
    %c0_i32 = arith.constant 0 : i32
    %c0_i32_1 = arith.constant 0 : i32
    return %add3A_0, %c0_i32 : i32, i32
  }
  func.func @transform_3(%arg0: i32) -> (i32, i32) {
    %c0_i32 = arith.constant 0 : i32
    %c0_i32_0 = arith.constant 0 : i32
    return %arg0, %c0_i32 : i32, i32
  }
  func.func @transform_4(%arg0: i32) -> (i32, i32) {
    %c0_i32 = arith.constant 0 : i32
    %c0_i32_0 = arith.constant 0 : i32
    %c0_i32_1 = arith.constant 0 : i32
    return %c0_i32, %c0_i32_0 : i32, i32
  }
  func.func @transform_5(%arg0: i32) -> (i32, i32) {
    %c0_i32 = arith.constant 0 : i32
    %c0_i32_0 = arith.constant 0 : i32
    %c0_i32_1 = arith.constant 0 : i32
    return %c0_i32, %c0_i32_0 : i32, i32
  }
  func.func @transform_6(%arg0: i32) -> (i32, i32) {
    %c0_i32 = arith.constant 0 : i32
    %c0_i32_0 = arith.constant 0 : i32
    %c0_i32_1 = arith.constant 0 : i32
    return %c0_i32, %c0_i32_0 : i32, i32
  }
}

</mosaic_0001>

<sc_bundles>
// kernel: kernel.5.cloned.1.call-start
scs
__scs_entry_jumppad:
0x0: {  	(pc) =	sbr.rel $0x88, $3  }
0x1: {  	(tag) =	ssettag $0x0;
	lr =	simm.s32 $0x1  }
0x2: {  	[smem:$0x3F9A] =	sst lr;
	_ =	strace $0xD0000000  }
0x3: {  	_ = 	snop  }
0x4: {  	_ = 	snop  }
0x5: {  	_ = 	snop  }
0x6: {  	_ = 	snop  }
0x7: {  	_ = 	snop  }
__scs_overlays_trampoline_lowered:
0x8: {  	[smem:$0x3FA9] =	sst s0  }
0x9: {  	[smem:$0x3FAA] =	sst s1  }
0xa: {  	[smem:$0x3FAB] =	sst s2  }
0xb: {  	[smem:$0x3FAC] =	sst s3  }
0xc: {  	[smem:$0x3FAD] =	sst s4  }
0xd: {  	[smem:$0x3FAE] =	sst s5  }
0xe: {  	[smem:$0x3FAF] =	sst s6  }
0xf: {  	[smem:$0x3FB0] =	sst s7  }
0x10: {  	[smem:$0x3FB1] =	sst s8  }
0x11: {  	[smem:$0x3FB2] =	sst s9;
	s0 =	simm.s32 @!p0 $0x0  }
0x12: {  	s1 =	sld [smem:$0x3F98];
	s0 =	simm.s32 @p0 $0x1  }
0x13: {  	[smem:$0x3FB3] =	sst s0;
	s0 =	simm.s32 @!p1 $0x0  }
0x14: {  	s2 =	sld [smem:$0x3F97];
	s0 =	simm.s32 @p1 $0x1  }
0x15: {  	[smem:$0x3FB4] =	sst s0;
	s0 =	simm.s32 @!p2 $0x0  }
0x16: {  	s3 =	sld [smem:$0x3FDB];
	s0 =	simm.s32 @p2 $0x1  }
0x17: {  	s4 =	simm.s32 $0x1BF5;
	[smem:$0x3FB6] =	sst s0  }
0x18: {  	s0 =	sld [smem:$0x3F99];
	_ =	swait.ge [sflag:s4], $0x0  }
0x19: {  	s7 =	sld [smem:$0x3F9A]  }
0x1a: {  	s8 =	sadd.s32 $0xFFFFE003, lr  }
0x1b: {  	s9 =	sadd.s32 $0xFFFFFEF7, lr;
	s5 =	simm.s32 $0xFFFFFFFF;
	p2 =	slt.u32 s8, $0xFFFFF086  }
0x1c: {  	p1 =	slt.u32 s9, $0xF7A;
	s5 =	simm.s32 @!p2 $0x0  }
0x1d: {  	s5 =	simm.s32 @p1 $0x1;
	p0 =	seq.s32 s7, s2  }
0x1e: {  	s7 =	smul.u32 @!p0 $0xF7A, s2;
	p2 =	seq.s32 @!p0 s5, $0x0  }
0x1f: {  	s9 =	smul.u32 $0xF7A, s1;
	s8 =	simm.s32 @!p0 $0x1BF5;
	p2 =	por !p2, p0  }
0x20: {  	[sflag:s8] =	ssyncset.s32 @!p0 $0xFFFFF086;
	s6 =	sadd.s32 @!p0 s3, s7;
	s7 =	simm.s32 @!p0 $0x108  }
0x21: {  	s3 =	sadd.s32 s3, s9;
	s6 =	sadd.s32 @!p0 $0x88, s6;
	s7 =	simm.s32 @p2 $0x1082  }
0x22: {  	[simem:s7], [sflag:s8] =	dma.local @!p0 [hbm:s6], $0xF7A  }
0x23: {  	s9 =	sor.u32 $0xD0000000, s2;
	s6 =	simm.s32 $0x108;
	_ =	swait.ge @!p0 [sflag:s8], $0x0  }
0x24: {  	s3 =	sadd.s32 $0x88, s3;
	s6 =	simm.s32 @!p1 $0x1082;
	[sflag:s4] =	ssyncset.s32 $0xFFFFF086  }
0x25: {  	[simem:s6], [sflag:s4] =	dma.local [hbm:s3], $0xF7A  }
0x26: {  	[smem:$0x3F9A] =	sst s1;
	(tag) =	ssettag s2;
	_ =	strace s9  }
0x27: {  	s1 =	sld [smem:$0x3FAA]  }
0x28: {  	s2 =	sld [smem:$0x3FAB]  }
0x29: {  	s4 =	sld [smem:$0x3FAD]  }
0x2a: {  	p0 =	seq.s32 s5, $0x0;
	s5 =	sld [smem:$0x3FAE]  }
0x2b: {  	s6 =	sld [smem:$0x3FAF]  }
0x2c: {  	s7 =	sld [smem:$0x3FB0]  }
0x2d: {  	s3 =	simm.s32 $0x108;
	s8 =	sld [smem:$0x3FB1]  }
0x2e: {  	s3 =	simm.s32 @!p0 $0x1082;
	s9 =	sld [smem:$0x3FB2]  }
0x2f: {  	lr =	sadd.s32 s0, s3;
	s0 =	sld [smem:$0x3FA9]  }
0x30: {  	s3 =	sld [smem:$0x3FAC]  }
0x31: {  	[smem:$0x3FB5] =	sst s10  }
0x32: {  	s10 =	sld [smem:$0x3FB3];
	_ =	sdelay $0x3  }
0x33: {  	p0 =	seq.s32 s10, $0x1;
	s10 =	sld [smem:$0x3FB5];
	_ =	sdelay $0x3  }
0x34: {  	[smem:$0x3FB5] =	sst s10  }
0x35: {  	s10 =	sld [smem:$0x3FB4];
	_ =	sdelay $0x3  }
0x36: {  	p1 =	seq.s32 s10, $0x1;
	s10 =	sld [smem:$0x3FB5];
	_ =	sdelay $0x3  }
0x37: {  	[smem:$0x3FB5] =	sst s10  }
0x38: {  	s10 =	sld [smem:$0x3FB6]  }
0x39: {  	_ = 	snop;
	(pc) =	sbr.ind lr, $3  }
0x3a: {  	_ = 	snop  }
0x3b: {  	_ = 	snop  }
0x3c: {  	p2 =	seq.s32 s10, $0x1;
	s10 =	sld [smem:$0x3FB5]  }
0x3d: {  	_ =	shalt  }
0x3e: {  	_ =	shalt  }
0x3f: {  	_ =	shalt  }
0x40: {  	_ =	shalt  }
0x41: {  	_ =	shalt  }
0x42: {  	_ =	shalt  }
0x43: {  	_ =	shalt  }
0x44: {  	_ =	shalt  }
0x45: {  	_ =	shalt  }
0x46: {  	_ =	shalt  }
0x47: {  	_ =	shalt  }
0x48: {  	_ =	shalt  }
0x49: {  	_ =	shalt  }
0x4a: {  	_ =	shalt  }
0x4b: {  	_ =	shalt  }
0x4c: {  	_ =	shalt  }
0x4d: {  	_ =	shalt  }
0x4e: {  	_ =	shalt  }
0x4f: {  	_ =	shalt  }
0x50: {  	_ =	shalt  }
0x51: {  	_ =	shalt  }
0x52: {  	_ =	shalt  }
0x53: {  	_ =	shalt  }
0x54: {  	_ =	shalt  }
0x55: {  	_ =	shalt  }
0x56: {  	_ =	shalt  }
0x57: {  	_ =	shalt  }
0x58: {  	_ =	shalt  }
0x59: {  	_ =	shalt  }
0x5a: {  	_ =	shalt  }
0x5b: {  	_ =	shalt  }
0x5c: {  	_ =	shalt  }
0x5d: {  	_ =	shalt  }
0x5e: {  	_ =	shalt  }
0x5f: {  	_ =	shalt  }
0x60: {  	_ =	shalt  }
0x61: {  	_ =	shalt  }
0x62: {  	_ =	shalt  }
0x63: {  	_ =	shalt  }
0x64: {  	_ =	shalt  }
0x65: {  	_ =	shalt  }
0x66: {  	_ =	shalt  }
0x67: {  	_ =	shalt  }
0x68: {  	_ =	shalt  }
0x69: {  	_ =	shalt  }
0x6a: {  	_ =	shalt  }
0x6b: {  	_ =	shalt  }
0x6c: {  	_ =	shalt  }
0x6d: {  	_ =	shalt  }
0x6e: {  	_ =	shalt  }
0x6f: {  	_ =	shalt  }
0x70: {  	_ =	shalt  }
0x71: {  	_ =	shalt  }
0x72: {  	_ =	shalt  }
0x73: {  	_ =	shalt  }
0x74: {  	_ =	shalt  }
0x75: {  	_ =	shalt  }
0x76: {  	_ =	shalt  }
0x77: {  	_ =	shalt  }
0x78: {  	_ =	shalt  }
0x79: {  	_ =	shalt  }
0x7a: {  	_ =	shalt  }
0x7b: {  	_ =	shalt  }
0x7c: {  	_ =	shalt  }
0x7d: {  	_ =	shalt  }
0x7e: {  	_ =	shalt  }
0x7f: {  	_ =	shalt  }
0x80: {  	_ =	shalt  }
0x81: {  	_ =	shalt  }
0x82: {  	_ =	shalt  }
0x83: {  	_ =	shalt  }
0x84: {  	_ =	shalt  }
0x85: {  	_ =	shalt  }
0x86: {  	_ =	shalt  }
0x87: {  	_ =	shalt  }
.Lfunc_end0:
.L_simem_size_0:
called_computation_lowered:
.L_overlay_start_0:
0x88: {  	s2 =	sld [smem:$0x3FD9]  }
0x89: {  	s3 =	sld [smem:$0x3FFE];
	_ =	sdelay $0x1  }
0x8a: {  	s1 =	srdreg.scid  }
0x8b: {  	s0 =	sand.u32 $0x1, s1  }
0x8c: {  	s16 =	sshll.u32 s0, $0xA;
	s2 =	sadd.s32 s3, s2  }
0x8d: {  	s2 =	sadd.s32 s2, s16  }
0x8e: {  	[smem:$0x3FC1] =	sst s2  }
0x8f: {  	_ = 	snop  }
0x90: {  	(tm) =	ssettm $0x1  }
0x91: {  	s17 =	sld [smem:$0x3FFB];
	_ =	sdelay $0x3  }
0x92: {  	_ =	strace s17  }
0x93: {  	s2 =	sld [smem:$0x3FFC];
	_ =	sdelay $0x3  }
0x94: {  	_ =	strace s2  }
0x95: {  	s2 =	sld [smem:$0x3FFD];
	_ =	sdelay $0x3  }
0x96: {  	_ =	strace s2  }
0x97: {  	_ =	strace $0x8FFFFFFF  }
0x98: {  	s18 =	sld [smem:$0x3FDB];
	_ =	sdelay $0x1  }
0x99: {  	s19 =	simm.s32 $_scs_section_size  }
0x9a: {  	s4 =	simm.s32 $_size__tile_overlayer_lowered;
	s5 =	simm.s32 $_tile_overlayer_lowered  }
0x9b: {  	s22 =	simm.s32 $0x1BFF;
	s21 =	sshll.u32 s5, $0x1;
	s2 =	sadd.s32 s19, s18  }
0x9c: {  	s6 =	simm.s32 $0x0;
	s20 =	sshll.u32 s4, $0x1;
	s4 =	sadd.s32 s21, s2  }
0x9d: {  	[timem:s6], [sflag:s22] =	dma.local [hbm:s4], s20  }
0x9e: {  	_ =	swait.ge [sflag:s22], s20  }
0x9f: {  	s3 =	ssub.s32 $0x0, s20;
	[sflag:s22] =	ssyncset.done $0x0  }
0xa0: {  	[sflag:s22] =	ssyncadd.s32 s3;
	_ =	sdelay $0x1  }
0xa1: {  	s23 =	simm.s32 $0x1B8B  }
0xa2: {  	_ =	swait.ge [sflag:s23], $0x1  }
0xa3: {  	[sflag:s23] =	ssyncset.done $0x0  }
0xa4: {  	s25 =	simm.s32 $0x1B8E;
	s24 =	sld [smem:$0x3FFE];
	[sflag:s23] =	ssyncadd.s32 $0xFFFFFFFF  }
0xa5: {  	s26 =	simm.s32 $execute0_lowered;
	[smem:$0x3FD2] =	sst s25  }
0xa6: {  	s4 =	sshll.u32 s26, $0x1;
	_ =	strace $0x80000046;
	[dreg:$0x1] =	wrdreg $0xFFFFFFFF  }
0xa7: {  	s28 =	simm.s32 $_size_execute0_lowered;
	s2 =	sadd.s32 s2, s4;
	[dreg:$0x0] =	wrdreg $0x0  }
0xa8: {  	s4 =	sshll.u32 s28, $0x1;
	[dreg:$0x2] =	wrdreg s2  }
0xa9: {  	[dreg:$0x3] =	wrdreg s4  }
0xaa: {  	[dreg:$0x4] =	wrdreg $0xC0  }
0xab: {  	_ =	task [dreg:s6], $0x5FFFF  }
0xac: {  	[dreg:$0x1] =	wrdreg $0xFFFFFFFF  }
0xad: {  	[dreg:$0x0] =	wrdreg $0x60  }
0xae: {  	[dreg:$0x2] =	wrdreg s24  }
0xaf: {  	[dreg:$0x3] =	wrdreg $0x9  }
0xb0: {  	_ =	task.clear_ibuf [dreg:s6], $0x4FFFF;
	_ =	strace $0x90000046  }
0xb1: {  	s29 =	simm.s32 $0x9;
	_ =	strace $0x80000048  }
0xb2: {  	_ =	swait.ge [sflag:s29], $0x1  }
0xb3: {  	[sflag:s29] =	ssyncadd.s32 $0xFFFFFFFF  }
0xb4: {  	_ =	strace $0x90000048  }
0xb5: {  	_ =	sfence  }
0xb6: {  	s30 =	sld [smem:$0x0];
	_ =	sdelay $0x2  }
0xb7: {  	s31 =	sshll.u32 s1, $0xD;
	s1 =	sshrl.u32 s1, $0x2  }
0xb8: {  	s3 =	sand.u32 $0x4000, s31;
	s1 =	sadd.s32 s1, s30  }
0xb9: {  	s0 =	sor.u32 s3, s0;
	s1 =	sshll.u32 s1, $0x11  }
0xba: {  	s0 =	sor.u32 s1, s0  }
0xbb: {  	s0 =	sadd.s32 $0x8F2B, s0  }
0xbc: {  	[sflag:s0] =	ssyncadd.remote.s32 $0x1  }
0xbd: {  	_ =	sfence.sel $0xFFFF  }
0xbe: {  	[dreg:$0x0] =	wrdreg $0xFFFFFFFF;
	(pc) =	sbr.abs _section_cstart, $3  }
0xbf: {  	[dreg:$0x1] =	wrdreg $0xFFFFFFFF  }
0xc0: {  	_ =	task.clear_ibuf [dreg:s6], $0x2FFFF;
	_ =	strace $0x9FFFFFFF  }
0xc1: {  	(tm) =	ssettm $0x7FFFFFFF  }
tec
execute0_lowered:
.L_overlay_start_1:
0x0: {  	(tag) =	ssettag $0x1  }
0x1: {  	s1 =	srdreg.scid;
	s0 =	stileid.u32  }
0x2: {  	s25 =	sand.u32 $0x1, s1;
	s29 =	sshll.u32 s0, $0x1  }
0x3: {  	s26 =	sor.u32 s25, s29  }
0x4: {  	s18 =	rddreg [dreg:$0x0];
	s3 =	smul.u32 $0xC0, s26  }
0x5: {  	s2 =	simm.s32 $0x0;
	s1 =	rddreg [dreg:$0x1]  }
0x6: {  	[smem:$0x7FF] =	sst s2;
	s3 =	sadd.s32 s3, s18  }
0x7: {  	_ =	strace $0x80000047;
	s4 =	sadd.s32 $0x7C1600, s3;
	s3 =	simm.s32 $0x2  }
0x8: {  	[tilespmem:s2], [sflag:$0x2] =	stream.linear.gather [hbm4b:s4+s2], $0x600, $0x38;
	[tilespmem:$0x18600] =	vst v63  }
0x9: {  	_ =	swait.ge [sflag:s3], $0x600  }
0xa: {  	s6 =	simm.s32 $0x80;
	[sflag:s3] =	ssyncset.done $0x0  }
0xb: {  	s7 =	simm.s32 $0x600;
	s5 =	sadd.s32 $0x1600, s18;
	[sflag:s3] =	ssyncadd.s32 $0xFFFFFA00  }
0xc: {  	[tilespmem:s7], [sflag:$0x1] =	stream.indirect.gather [hbm4b:s5+s6], $0x80, s2, s6, $0xb8;
	[tilespmem:$0x18600] =	vst v63  }
0xd: {  	s8 =	simm.s32 $0x4600  }
0xe: {  	[tilespmem:s8], [sflag:$0x1] =	stream.indirect.gather [hbm4b:s5+s6], $0x80, s6, s6, $0xb8;
	[tilespmem:$0x18600] =	vst v63  }
0xf: {  	s9 =	simm.s32 $0x100;
	s10 =	simm.s32 $0x8600  }
0x10: {  	[tilespmem:s10], [sflag:$0x1] =	stream.indirect.gather [hbm4b:s5+s6], $0x80, s9, s6, $0xb8;
	[tilespmem:$0x18600] =	vst v63  }
0x11: {  	s11 =	simm.s32 $0x180;
	s12 =	simm.s32 $0xC600  }
0x12: {  	[tilespmem:s12], [sflag:$0x1] =	stream.indirect.gather [hbm4b:s5+s6], $0x80, s11, s6, $0xb8;
	[tilespmem:$0x18600] =	vst v63  }
0x13: {  	s13 =	simm.s32 $0x200;
	s14 =	simm.s32 $0x10600  }
0x14: {  	[tilespmem:s14], [sflag:$0x1] =	stream.indirect.gather [hbm4b:s5+s6], $0x80, s13, s6, $0xb8;
	[tilespmem:$0x18600] =	vst v63  }
0x15: {  	s15 =	simm.s32 $0x280;
	s16 =	simm.s32 $0x14600;
	s17 =	simm.s32 $0x1  }
0x16: {  	[tilespmem:s16], [sflag:$0x1] =	stream.indirect.gather [hbm4b:s5+s6], $0x80, s15, s6, $0xb8;
	[tilespmem:$0x18600] =	vst v63  }
0x17: {  	_ =	swait.ge [sflag:s17], $0x4000  }
0x18: {  	[sflag:s17] =	ssyncset.done $0x0  }
0x19: {  	[sflag:s17] =	ssyncadd.s32 $0xFFFFC000  }
0x1a: {  	_ =	swait.ge [sflag:s17], $0x4000  }
0x1b: {  	[sflag:s17] =	ssyncset.done $0x0  }
0x1c: {  	[sflag:s17] =	ssyncadd.s32 $0xFFFFC000  }
0x1d: {  	_ =	swait.ge [sflag:s17], $0x4000  }
0x1e: {  	[sflag:s17] =	ssyncset.done $0x0  }
0x1f: {  	[sflag:s17] =	ssyncadd.s32 $0xFFFFC000  }
0x20: {  	_ =	swait.ge [sflag:s17], $0x4000  }
0x21: {  	[sflag:s17] =	ssyncset.done $0x0  }
0x22: {  	[sflag:s17] =	ssyncadd.s32 $0xFFFFC000  }
0x23: {  	_ =	swait.ge [sflag:s17], $0x4000  }
0x24: {  	[sflag:s17] =	ssyncset.done $0x0  }
0x25: {  	[sflag:s17] =	ssyncadd.s32 $0xFFFFC000  }
0x26: {  	s19 =	smul.u32 $0x6000, s26;
	_ =	swait.ge [sflag:s17], $0x4000  }
0x27: {  	s28 =	sadd.s32 $0x7C2E00, s18;
	[sflag:s17] =	ssyncset.done $0x0  }
0x28: {  	s18 =	sadd.s32 s28, s19;
	[sflag:s17] =	ssyncadd.s32 $0xFFFFC000  }
0x29: {  	[hbm4b:s18+s2] =	stream.linear.scatter [tilespmem:s7], [sflag:$0x2], $0x18000, $0x38;
	[tilespmem:$0x18600] =	vst v63  }
0x2a: {  	_ =	swait.ge [sflag:s3], $0x18000  }
0x2b: {  	[sflag:s3] =	ssyncset.done $0x0  }
0x2c: {  	s19 =	simm.s32 $0x300;
	[sflag:s3] =	ssyncadd.s32 $0xFFFE8000  }
0x2d: {  	[tilespmem:s7], [sflag:$0x1] =	stream.indirect.gather [hbm4b:s5+s6], $0x80, s19, s6, $0xb8;
	[tilespmem:$0x18600] =	vst v63  }
0x2e: {  	s20 =	simm.s32 $0x380  }
0x2f: {  	[tilespmem:s8], [sflag:$0x1] =	stream.indirect.gather [hbm4b:s5+s6], $0x80, s20, s6, $0xb8;
	[tilespmem:$0x18600] =	vst v63  }
0x30: {  	s21 =	simm.s32 $0x400  }
0x31: {  	[tilespmem:s10], [sflag:$0x1] =	stream.indirect.gather [hbm4b:s5+s6], $0x80, s21, s6, $0xb8;
	[tilespmem:$0x18600] =	vst v63  }
0x32: {  	s22 =	simm.s32 $0x480  }
0x33: {  	[tilespmem:s12], [sflag:$0x1] =	stream.indirect.gather [hbm4b:s5+s6], $0x80, s22, s6, $0xb8;
	[tilespmem:$0x18600] =	vst v63  }
0x34: {  	s23 =	simm.s32 $0x500  }
0x35: {  	[tilespmem:s14], [sflag:$0x1] =	stream.indirect.gather [hbm4b:s5+s6], $0x80, s23, s6, $0xb8;
	[tilespmem:$0x18600] =	vst v63  }
0x36: {  	s24 =	simm.s32 $0x580  }
0x37: {  	[tilespmem:s16], [sflag:$0x1] =	stream.indirect.gather [hbm4b:s5+s6], $0x80, s24, s6, $0xb8;
	[tilespmem:$0x18600] =	vst v63  }
0x38: {  	_ =	swait.ge [sflag:s17], $0x4000  }
0x39: {  	[sflag:s17] =	ssyncset.done $0x0  }
0x3a: {  	[sflag:s17] =	ssyncadd.s32 $0xFFFFC000  }
0x3b: {  	_ =	swait.ge [sflag:s17], $0x4000  }
0x3c: {  	[sflag:s17] =	ssyncset.done $0x0  }
0x3d: {  	[sflag:s17] =	ssyncadd.s32 $0xFFFFC000  }
0x3e: {  	_ =	swait.ge [sflag:s17], $0x4000  }
0x3f: {  	[sflag:s17] =	ssyncset.done $0x0  }
0x40: {  	[sflag:s17] =	ssyncadd.s32 $0xFFFFC000  }
0x41: {  	_ =	swait.ge [sflag:s17], $0x4000  }
0x42: {  	[sflag:s17] =	ssyncset.done $0x0  }
0x43: {  	s25 =	ssub.s32 $0x2, s25;
	[sflag:s17] =	ssyncadd.s32 $0xFFFFC000  }
0x44: {  	s29 =	sshrl.u32 s25, $0x1;
	_ =	swait.ge [sflag:s17], $0x4000  }
0x45: {  	s26 =	smul.u32 $0x30000, s26;
	s29 =	ssub.s32 s25, s29;
	[sflag:s17] =	ssyncset.done $0x0  }
0x46: {  	s31 =	smax.u32 s29, $0x1;
	[sflag:s17] =	ssyncadd.s32 $0xFFFFC000  }
0x47: {  	s26 =	sshrl.u32 s26, $0x3;
	p0 =	sne.s32 s31, $0x1;
	_ =	swait.ge [sflag:s17], $0x4000  }
.Ltmp0:
0x48: {  	s30 =	sadd.s32 s28, s26;
	[sflag:s17] =	ssyncset.done $0x0;
	(pc) =	sbr.rel @!p0 .LBB2_2-.Ltmp0, $4  }
0x49: {  	s25 =	sadd.s32 $0x3000, s30;
	[sflag:s17] =	ssyncadd.s32 $0xFFFFC000  }
0x4a: {  	[hbm4b:s25+s2] =	stream.linear.scatter [tilespmem:s7], [sflag:$0x2], $0x18000, $0x38;
	[tilespmem:$0x18600] =	vst v63  }
0x4b: {  	_ =	swait.ge [sflag:s3], $0x18000  }
0x4c: {  	s26 =	sadd.s32 $0xFFFFFFFF, s31;
	[sflag:s3] =	ssyncset.done $0x0  }
.LBB2_1:
0x4d: {  	p0 =	sne.s32 s26, $0x1;
	s26 =	sadd.s32 $0xFFFFFFFF, s26;
	[sflag:s3] =	ssyncadd.s32 $0xFFFE8000  }
0x4e: {  	[tilespmem:s2], [sflag:$0x2] =	stream.linear.gather [hbm4b:s4+s2], $0x600, $0x38;
	[tilespmem:$0x18600] =	vst v63  }
0x4f: {  	_ =	swait.ge [sflag:s3], $0x600  }
0x50: {  	[sflag:s3] =	ssyncset.done $0x0  }
0x51: {  	[sflag:s3] =	ssyncadd.s32 $0xFFFFFA00  }
0x52: {  	[tilespmem:s7], [sflag:$0x1] =	stream.indirect.gather [hbm4b:s5+s6], $0x80, s2, s6, $0xb8;
	[tilespmem:$0x18600] =	vst v63  }
0x53: {  	_ = 	snop  }
0x54: {  	[tilespmem:s8], [sflag:$0x1] =	stream.indirect.gather [hbm4b:s5+s6], $0x80, s6, s6, $0xb8;
	[tilespmem:$0x18600] =	vst v63  }
0x55: {  	_ = 	snop  }
0x56: {  	[tilespmem:s10], [sflag:$0x1] =	stream.indirect.gather [hbm4b:s5+s6], $0x80, s9, s6, $0xb8;
	[tilespmem:$0x18600] =	vst v63  }
0x57: {  	_ = 	snop  }
0x58: {  	[tilespmem:s12], [sflag:$0x1] =	stream.indirect.gather [hbm4b:s5+s6], $0x80, s11, s6, $0xb8;
	[tilespmem:$0x18600] =	vst v63  }
0x59: {  	_ = 	snop  }
0x5a: {  	[tilespmem:s14], [sflag:$0x1] =	stream.indirect.gather [hbm4b:s5+s6], $0x80, s13, s6, $0xb8;
	[tilespmem:$0x18600] =	vst v63  }
0x5b: {  	_ = 	snop  }
0x5c: {  	[tilespmem:s16], [sflag:$0x1] =	stream.indirect.gather [hbm4b:s5+s6], $0x80, s15, s6, $0xb8;
	[tilespmem:$0x18600] =	vst v63  }
0x5d: {  	_ =	swait.ge [sflag:s17], $0x4000  }
0x5e: {  	[sflag:s17] =	ssyncset.done $0x0  }
0x5f: {  	[sflag:s17] =	ssyncadd.s32 $0xFFFFC000  }
0x60: {  	_ =	swait.ge [sflag:s17], $0x4000  }
0x61: {  	[sflag:s17] =	ssyncset.done $0x0  }
0x62: {  	[sflag:s17] =	ssyncadd.s32 $0xFFFFC000  }
0x63: {  	_ =	swait.ge [sflag:s17], $0x4000  }
0x64: {  	[sflag:s17] =	ssyncset.done $0x0  }
0x65: {  	[sflag:s17] =	ssyncadd.s32 $0xFFFFC000  }
0x66: {  	_ =	swait.ge [sflag:s17], $0x4000  }
0x67: {  	[sflag:s17] =	ssyncset.done $0x0  }
0x68: {  	[sflag:s17] =	ssyncadd.s32 $0xFFFFC000  }
0x69: {  	_ =	swait.ge [sflag:s17], $0x4000  }
0x6a: {  	[sflag:s17] =	ssyncset.done $0x0  }
0x6b: {  	[sflag:s17] =	ssyncadd.s32 $0xFFFFC000  }
0x6c: {  	_ =	swait.ge [sflag:s17], $0x4000  }
0x6d: {  	[sflag:s17] =	ssyncset.done $0x0  }
0x6e: {  	[sflag:s17] =	ssyncadd.s32 $0xFFFFC000  }
0x6f: {  	[hbm4b:s18+s2] =	stream.linear.scatter [tilespmem:s7], [sflag:$0x2], $0x18000, $0x38;
	[tilespmem:$0x18600] =	vst v63  }
0x70: {  	_ =	swait.ge [sflag:s3], $0x18000  }
0x71: {  	[sflag:s3] =	ssyncset.done $0x0  }
0x72: {  	[sflag:s3] =	ssyncadd.s32 $0xFFFE8000  }
0x73: {  	[tilespmem:s7], [sflag:$0x1] =	stream.indirect.gather [hbm4b:s5+s6], $0x80, s19, s6, $0xb8;
	[tilespmem:$0x18600] =	vst v63  }
0x74: {  	_ = 	snop  }
0x75: {  	[tilespmem:s8], [sflag:$0x1] =	stream.indirect.gather [hbm4b:s5+s6], $0x80, s20, s6, $0xb8;
	[tilespmem:$0x18600] =	vst v63  }
0x76: {  	_ = 	snop  }
0x77: {  	[tilespmem:s10], [sflag:$0x1] =	stream.indirect.gather [hbm4b:s5+s6], $0x80, s21, s6, $0xb8;
	[tilespmem:$0x18600] =	vst v63  }
0x78: {  	_ = 	snop  }
0x79: {  	[tilespmem:s12], [sflag:$0x1] =	stream.indirect.gather [hbm4b:s5+s6], $0x80, s22, s6, $0xb8;
	[tilespmem:$0x18600] =	vst v63  }
0x7a: {  	_ = 	snop  }
0x7b: {  	[tilespmem:s14], [sflag:$0x1] =	stream.indirect.gather [hbm4b:s5+s6], $0x80, s23, s6, $0xb8;
	[tilespmem:$0x18600] =	vst v63  }
0x7c: {  	_ = 	snop  }
0x7d: {  	[tilespmem:s16], [sflag:$0x1] =	stream.indirect.gather [hbm4b:s5+s6], $0x80, s24, s6, $0xb8;
	[tilespmem:$0x18600] =	vst v63  }
0x7e: {  	_ =	swait.ge [sflag:s17], $0x4000  }
0x7f: {  	[sflag:s17] =	ssyncset.done $0x0  }
0x80: {  	[sflag:s17] =	ssyncadd.s32 $0xFFFFC000  }
0x81: {  	_ =	swait.ge [sflag:s17], $0x4000  }
0x82: {  	[sflag:s17] =	ssyncset.done $0x0  }
0x83: {  	[sflag:s17] =	ssyncadd.s32 $0xFFFFC000  }
0x84: {  	_ =	swait.ge [sflag:s17], $0x4000  }
0x85: {  	[sflag:s17] =	ssyncset.done $0x0  }
0x86: {  	[sflag:s17] =	ssyncadd.s32 $0xFFFFC000  }
0x87: {  	_ =	swait.ge [sflag:s17], $0x4000  }
0x88: {  	[sflag:s17] =	ssyncset.done $0x0  }
0x89: {  	[sflag:s17] =	ssyncadd.s32 $0xFFFFC000  }
0x8a: {  	_ =	swait.ge [sflag:s17], $0x4000  }
0x8b: {  	[sflag:s17] =	ssyncset.done $0x0  }
0x8c: {  	[sflag:s17] =	ssyncadd.s32 $0xFFFFC000  }
0x8d: {  	_ =	swait.ge [sflag:s17], $0x4000  }
.Ltmp1:
0x8e: {  	[sflag:s17] =	ssyncset.done $0x0;
	(pc) =	sbr.rel @p0 .LBB2_1-.Ltmp1, $4  }
0x8f: {  	[sflag:s17] =	ssyncadd.s32 $0xFFFFC000  }
0x90: {  	[hbm4b:s25+s2] =	stream.linear.scatter [tilespmem:s7], [sflag:$0x2], $0x18000, $0x38;
	[tilespmem:$0x18600] =	vst v63  }
0x91: {  	_ =	swait.ge [sflag:s3], $0x18000  }
0x92: {  	[sflag:s3] =	ssyncset.done $0x0  }
.LBB2_2:
0x93: {  	[sflag:s3] =	ssyncadd.s32 $0xFFFE8000  }
0x94: {  	_ =	sfence.sel $0x180000  }
0x95: {  	[bflag:$0x0] =	sbarrier.arrive $0xFFFF  }
0x96: {  	p0 =	sne.s32 s0, $0x0;
	_ =	strace $0x90000047  }
0x97: {  	s0 =	sadd.s32 @!p0 $0x100000, s1;
	[bflag:$0x2] =	sbarrier.arrive $0xFFFF  }
0x98: {  	[sflag:s0] =	ssyncadd.tile.s32 @!p0 $0x1;
	_ =	shalt  }
.Lfunc_end2:
_tile_overlayer_lowered:
.L_overlay_start_2:
0x99: {  	(tag) =	ssettag $0x2  }
0x9a: {  	s0 =	rddreg [dreg:$0x0];
	s2 =	stileid.u32  }
0x9b: {  	s1 =	rddreg [dreg:$0x1];
	p0 =	sne.s32 s2, $0x0  }
0x9c: {  	s3 =	rddreg [dreg:$0x2];
	[bflag:$0x3] =	sbarrier.arrive $0xFFFF;
	s2 =	simm.s32 @!p0 $0x1C02  }
0x9d: {  	[timem:s3], [sflag:s2] =	dma.local @!p0 [hbm:s0], s1  }
0x9e: {  	s0 =	simm.s32 @!p0 $0x2  }
0x9f: {  	_ =	swait.ge @!p0 [sflag:s0], s1  }
0xa0: {  	s1 =	ssub.s32 @!p0 $0x0, s1;
	[sflag:s0] =	ssyncset.done @!p0 $0x0  }
0xa1: {  	[sflag:s0] =	ssyncadd.s32 @!p0 s1  }
0xa2: {  	[bflag:$0x3] =	sbarrier.arrive $0xFFFF  }
0xa3: {  	_ =	shalt  }

</sc_bundles>
